<compile_context>
chip_gen: v7x
topology: tpu7x:2x2x1
jax: 0.10.2.dev20260603
libtpu: 0.0.44.dev20260713+nightly
codegen_flags: <defaults>
</compile_context>

<pallas_src>
import jax
import jax.numpy as jnp
from jax import lax
from jax.experimental import pallas as pl
from jax.experimental.pallas import tpu as pltpu
from jax.experimental.pallas import tpu_sc as plsc

_B, _C, _H, _W = 32, 384, 56, 56
_R = _H * _W
_G = 16
_NCHUNK = _C // _G
_NC = 2


def _sc_reverse_channels(x3):
    mesh = plsc.VectorSubcoreMesh(core_axis_name="c", subcore_axis_name="s")

    @pl.kernel(
        out_type=jax.ShapeDtypeStruct((_B, _C, _R), jnp.float32),
        mesh=mesh,
        scratch_types=[
            pltpu.VMEM((_G, _R), jnp.float32),
            pltpu.VMEM((_G, _R), jnp.float32),
            pltpu.SemaphoreType.DMA,
            pltpu.SemaphoreType.DMA,
            pltpu.SemaphoreType.DMA,
            pltpu.SemaphoreType.DMA,
        ],
    )
    def body(x_hbm, o_hbm, buf0, buf1, isem0, isem1, osem0, osem1):
        w = lax.axis_index("s") * _NC + lax.axis_index("c")

        def start_in(k, buf, sem):
            pltpu.async_copy(x_hbm.at[w, pl.ds(_C - (k + 1) * _G, _G)], buf, sem)

        def wait_in(buf, sem):
            pltpu.make_async_copy(x_hbm.at[w, pl.ds(0, _G)], buf, sem).wait()

        def fire_outs(k, buf, sem):
            for j in range(_G):
                pltpu.async_copy(buf.at[_G - 1 - j], o_hbm.at[w, k * _G + j], sem)

        def drain_outs(buf, sem):
            pltpu.make_async_copy(buf, x_hbm.at[w, pl.ds(0, _G)], sem).wait()

        start_in(0, buf0, isem0)
        start_in(1, buf1, isem1)

        @pl.loop(0, _NCHUNK, step=2)
        def _(k):
            wait_in(buf0, isem0)
            fire_outs(k, buf0, osem0)
            drain_outs(buf0, osem0)

            @pl.when(k + 2 < _NCHUNK)
            def _():
                start_in(k + 2, buf0, isem0)

            wait_in(buf1, isem1)
            fire_outs(k + 1, buf1, osem1)
            drain_outs(buf1, osem1)

            @pl.when(k + 3 < _NCHUNK)
            def _():
                start_in(k + 3, buf1, isem1)

    return body(x3)


def kernel(x, logdet):
    x3 = x.reshape(_B, _C, _R)
    out3 = _sc_reverse_channels(x3)
    return (out3.reshape(_B, _C, _H, _W), logdet)

# --- scband reference (transcript-rebuilt; emitter-appended) ---
"""Pipeline reference for scband-permute2d-68289980006790 (READ-ONLY COPY).

The authoritative reference and input builder live on the scoring server;
editing this copy changes nothing except your own understanding.
"""

import jax, jax.numpy as jnp
import numpy as np

IN_CH = 384

def setup_inputs(seed: int = 0) -> dict:
    key = jax.random.key(seed)
    k1, _ = jax.random.split(key)
    x = jax.random.normal(k1, (32, IN_CH, 56, 56), dtype=jnp.float32)
    logdet = jnp.zeros((32,), dtype=jnp.float32)
    return {"x": x, "logdet": logdet}

def reference(x, logdet):
    # Permute2d with shuffle=False: indices = arange(inCh-1, -1, -1) (channel reversal)
    C = x.shape[1]
    indices = jnp.arange(C - 1, -1, -1, dtype=jnp.int32)
    # forward (rev=False): gather channels by indices
    x_out = jnp.take(x, indices, axis=1)
    return (x_out, logdet)

if __name__ == "__main__":
    import jax
    _d = setup_inputs()
    print(jax.jit(kernel)(*tuple(_d.values())))

</pallas_src>

<mosaic_0001>
#map = affine_map<(d0, d1) -> (0, 0, 0)>
module attributes {stable_mosaic.version = 14 : i64} {
  func.func @body(%arg0: i32, %arg1: i32, %arg2: memref<32x384x3136xf32, #tpu.memory_space<hbm>>, %arg3: memref<32x384x3136xf32, #tpu.memory_space<hbm>>, %arg4: memref<16x3136xf32, #tpu.memory_space<vmem>>, %arg5: memref<16x3136xf32, #tpu.memory_space<vmem>>, %arg6: memref<!tpu.dma_semaphore, #tpu.memory_space<semaphore_mem>>, %arg7: memref<!tpu.dma_semaphore, #tpu.memory_space<semaphore_mem>>, %arg8: memref<!tpu.dma_semaphore, #tpu.memory_space<semaphore_mem>>, %arg9: memref<!tpu.dma_semaphore, #tpu.memory_space<semaphore_mem>>) attributes {dimension_semantics = [#tpu.dimension_semantics<core_parallel>, #tpu.dimension_semantics<subcore_parallel>], iteration_bounds = array<i64: 2, 16>, scalar_prefetch = 0 : i64, scratch_operands = 6 : i64, tpu.core_type = #tpu.core_type<sc_vector_subcore>, window_params = [{transform_indices = #map}, {transform_indices = #map}]} {
    %mul3A = arith.constant 2 : i32
    %mul3A_0 = arith.muli %arg1, %mul3A : i32
    %add3A = arith.addi %mul3A_0, %arg0 : i32
    %dma_start3A = arith.constant 368 : i32
    %dma_start3A_1 = arith.constant 0 : i32
    %dma_start3A_2 = tpu.memref_slice %arg2[%add3A, %dma_start3A, %dma_start3A_1] : memref<32x384x3136xf32, #tpu.memory_space<hbm>> -> memref<1x16x3136xf32, #tpu.memory_space<hbm>>
    %dma_start3A_3 = tpu.memref_squeeze %dma_start3A_2 : memref<1x16x3136xf32, #tpu.memory_space<hbm>> -> memref<16x3136xf32, #tpu.memory_space<hbm>>
    %dma_start3A_4 = arith.constant 368 : i32
    %dma_start3A_5 = arith.constant 0 : i32
    %dma_start3A_6 = tpu.memref_slice %arg2[%add3A, %dma_start3A_4, %dma_start3A_5] : memref<32x384x3136xf32, #tpu.memory_space<hbm>> -> memref<1x16x3136xf32, #tpu.memory_space<hbm>>
    %dma_start3A_7 = tpu.memref_squeeze %dma_start3A_6 : memref<1x16x3136xf32, #tpu.memory_space<hbm>> -> memref<16x3136xf32, #tpu.memory_space<hbm>>
    tpu.enqueue_dma source(%dma_start3A_7 : memref<16x3136xf32, #tpu.memory_space<hbm>>) target(%arg4 : memref<16x3136xf32, #tpu.memory_space<vmem>>) target_semaphore(%arg6 : memref<!tpu.dma_semaphore, #tpu.memory_space<semaphore_mem>>)
    %dma_start3A_8 = arith.constant 352 : i32
    %dma_start3A_9 = arith.constant 0 : i32
    %dma_start3A_10 = tpu.memref_slice %arg2[%add3A, %dma_start3A_8, %dma_start3A_9] : memref<32x384x3136xf32, #tpu.memory_space<hbm>> -> memref<1x16x3136xf32, #tpu.memory_space<hbm>>
    %dma_start3A_11 = tpu.memref_squeeze %dma_start3A_10 : memref<1x16x3136xf32, #tpu.memory_space<hbm>> -> memref<16x3136xf32, #tpu.memory_space<hbm>>
    %dma_start3A_12 = arith.constant 352 : i32
    %dma_start3A_13 = arith.constant 0 : i32
    %dma_start3A_14 = tpu.memref_slice %arg2[%add3A, %dma_start3A_12, %dma_start3A_13] : memref<32x384x3136xf32, #tpu.memory_space<hbm>> -> memref<1x16x3136xf32, #tpu.memory_space<hbm>>
    %dma_start3A_15 = tpu.memref_squeeze %dma_start3A_14 : memref<1x16x3136xf32, #tpu.memory_space<hbm>> -> memref<16x3136xf32, #tpu.memory_space<hbm>>
    tpu.enqueue_dma source(%dma_start3A_15 : memref<16x3136xf32, #tpu.memory_space<hbm>>) target(%arg5 : memref<16x3136xf32, #tpu.memory_space<vmem>>) target_semaphore(%arg7 : memref<!tpu.dma_semaphore, #tpu.memory_space<semaphore_mem>>)
    %scan3A = arith.constant 0 : i32
    %scan3A_16 = arith.constant 12 : i32
    %scan3A_17 = arith.addi %scan3A, %scan3A_16 : i32
    %scan3A_18 = arith.constant 1 : i32
    scf.for %scan3A_20 = %scan3A to %scan3A_17 step %scan3A_18  : i32 {
      %mul3A_21 = arith.constant 2 : i32
      %mul3A_22 = arith.muli %scan3A_20, %mul3A_21 : i32
      %add3A_23 = arith.constant 0 : i32
      %add3A_24 = arith.addi %add3A_23, %mul3A_22 : i32
      %dma_wait3A = arith.constant 0 : i32
      %dma_wait3A_25 = arith.constant 0 : i32
      %dma_wait3A_26 = tpu.memref_slice %arg2[%add3A, %dma_wait3A, %dma_wait3A_25] : memref<32x384x3136xf32, #tpu.memory_space<hbm>> -> memref<1x16x3136xf32, #tpu.memory_space<hbm>>
      %dma_wait3A_27 = tpu.memref_squeeze %dma_wait3A_26 : memref<1x16x3136xf32, #tpu.memory_space<hbm>> -> memref<16x3136xf32, #tpu.memory_space<hbm>>
      %dma_wait3A_28 = arith.constant 0 : i32
      %dma_wait3A_29 = arith.constant 0 : i32
      %dma_wait3A_30 = tpu.memref_slice %arg2[%add3A, %dma_wait3A_28, %dma_wait3A_29] : memref<32x384x3136xf32, #tpu.memory_space<hbm>> -> memref<1x16x3136xf32, #tpu.memory_space<hbm>>
      %dma_wait3A_31 = tpu.memref_squeeze %dma_wait3A_30 : memref<1x16x3136xf32, #tpu.memory_space<hbm>> -> memref<16x3136xf32, #tpu.memory_space<hbm>>
      tpu.wait_dma2 semaphore(%arg6 : memref<!tpu.dma_semaphore, #tpu.memory_space<semaphore_mem>>) src(%dma_wait3A_31 : memref<16x3136xf32, #tpu.memory_space<hbm>>) dst(%arg4 : memref<16x3136xf32, #tpu.memory_space<vmem>>)
      %mul3A_32 = arith.constant 16 : i32
      %mul3A_33 = arith.muli %add3A_24, %mul3A_32 : i32
      %add3A_34 = arith.constant 0 : i32
      %add3A_35 = arith.addi %mul3A_33, %add3A_34 : i32
      %dma_start3A_36 = arith.constant 15 : i32
      %dma_start3A_37 = arith.constant 0 : i32
      %dma_start3A_38 = tpu.memref_slice %arg4[%dma_start3A_36, %dma_start3A_37] : memref<16x3136xf32, #tpu.memory_space<vmem>> -> memref<1x3136xf32, #tpu.memory_space<vmem>>
      %dma_start3A_39 = tpu.memref_squeeze %dma_start3A_38 : memref<1x3136xf32, #tpu.memory_space<vmem>> -> memref<3136xf32, #tpu.memory_space<vmem>>
      %dma_start3A_40 = arith.constant 0 : i32
      %dma_start3A_41 = tpu.memref_slice %arg3[%add3A, %add3A_35, %dma_start3A_40] : memref<32x384x3136xf32, #tpu.memory_space<hbm>> -> memref<1x1x3136xf32, #tpu.memory_space<hbm>>
      %dma_start3A_42 = tpu.memref_squeeze %dma_start3A_41 : memref<1x1x3136xf32, #tpu.memory_space<hbm>> -> memref<3136xf32, #tpu.memory_space<hbm>>
      %dma_start3A_43 = arith.constant 0 : i32
      %dma_start3A_44 = tpu.memref_slice %arg3[%add3A, %add3A_35, %dma_start3A_43] : memref<32x384x3136xf32, #tpu.memory_space<hbm>> -> memref<1x1x3136xf32, #tpu.memory_space<hbm>>
      %dma_start3A_45 = tpu.memref_squeeze %dma_start3A_44 : memref<1x1x3136xf32, #tpu.memory_space<hbm>> -> memref<3136xf32, #tpu.memory_space<hbm>>
      %dma_start3A_46 = arith.constant 0 : i32
      %dma_start3A_47 = tpu.memref_slice %arg4[%dma_start3A_36, %dma_start3A_46] : memref<16x3136xf32, #tpu.memory_space<vmem>> -> memref<1x3136xf32, #tpu.memory_space<vmem>>
      %dma_start3A_48 = tpu.memref_squeeze %dma_start3A_47 : memref<1x3136xf32, #tpu.memory_space<vmem>> -> memref<3136xf32, #tpu.memory_space<vmem>>
      tpu.enqueue_dma source(%dma_start3A_48 : memref<3136xf32, #tpu.memory_space<vmem>>) target(%dma_start3A_45 : memref<3136xf32, #tpu.memory_space<hbm>>) target_semaphore(%arg8 : memref<!tpu.dma_semaphore, #tpu.memory_space<semaphore_mem>>)
      %mul3A_49 = arith.constant 16 : i32
      %mul3A_50 = arith.muli %add3A_24, %mul3A_49 : i32
      %add3A_51 = arith.constant 1 : i32
      %add3A_52 = arith.addi %mul3A_50, %add3A_51 : i32
      %dma_start3A_53 = arith.constant 14 : i32
      %dma_start3A_54 = arith.constant 0 : i32
      %dma_start3A_55 = tpu.memref_slice %arg4[%dma_start3A_53, %dma_start3A_54] : memref<16x3136xf32, #tpu.memory_space<vmem>> -> memref<1x3136xf32, #tpu.memory_space<vmem>>
      %dma_start3A_56 = tpu.memref_squeeze %dma_start3A_55 : memref<1x3136xf32, #tpu.memory_space<vmem>> -> memref<3136xf32, #tpu.memory_space<vmem>>
      %dma_start3A_57 = arith.constant 0 : i32
      %dma_start3A_58 = tpu.memref_slice %arg3[%add3A, %add3A_52, %dma_start3A_57] : memref<32x384x3136xf32, #tpu.memory_space<hbm>> -> memref<1x1x3136xf32, #tpu.memory_space<hbm>>
      %dma_start3A_59 = tpu.memref_squeeze %dma_start3A_58 : memref<1x1x3136xf32, #tpu.memory_space<hbm>> -> memref<3136xf32, #tpu.memory_space<hbm>>
      %dma_start3A_60 = arith.constant 0 : i32
      %dma_start3A_61 = tpu.memref_slice %arg3[%add3A, %add3A_52, %dma_start3A_60] : memref<32x384x3136xf32, #tpu.memory_space<hbm>> -> memref<1x1x3136xf32, #tpu.memory_space<hbm>>
      %dma_start3A_62 = tpu.memref_squeeze %dma_start3A_61 : memref<1x1x3136xf32, #tpu.memory_space<hbm>> -> memref<3136xf32, #tpu.memory_space<hbm>>
      %dma_start3A_63 = arith.constant 0 : i32
      %dma_start3A_64 = tpu.memref_slice %arg4[%dma_start3A_53, %dma_start3A_63] : memref<16x3136xf32, #tpu.memory_space<vmem>> -> memref<1x3136xf32, #tpu.memory_space<vmem>>
      %dma_start3A_65 = tpu.memref_squeeze %dma_start3A_64 : memref<1x3136xf32, #tpu.memory_space<vmem>> -> memref<3136xf32, #tpu.memory_space<vmem>>
      tpu.enqueue_dma source(%dma_start3A_65 : memref<3136xf32, #tpu.memory_space<vmem>>) target(%dma_start3A_62 : memref<3136xf32, #tpu.memory_space<hbm>>) target_semaphore(%arg8 : memref<!tpu.dma_semaphore, #tpu.memory_space<semaphore_mem>>)
      %mul3A_66 = arith.constant 16 : i32
      %mul3A_67 = arith.muli %add3A_24, %mul3A_66 : i32
      %add3A_68 = arith.constant 2 : i32
      %add3A_69 = arith.addi %mul3A_67, %add3A_68 : i32
      %dma_start3A_70 = arith.constant 13 : i32
      %dma_start3A_71 = arith.constant 0 : i32
      %dma_start3A_72 = tpu.memref_slice %arg4[%dma_start3A_70, %dma_start3A_71] : memref<16x3136xf32, #tpu.memory_space<vmem>> -> memref<1x3136xf32, #tpu.memory_space<vmem>>
      %dma_start3A_73 = tpu.memref_squeeze %dma_start3A_72 : memref<1x3136xf32, #tpu.memory_space<vmem>> -> memref<3136xf32, #tpu.memory_space<vmem>>
      %dma_start3A_74 = arith.constant 0 : i32
      %dma_start3A_75 = tpu.memref_slice %arg3[%add3A, %add3A_69, %dma_start3A_74] : memref<32x384x3136xf32, #tpu.memory_space<hbm>> -> memref<1x1x3136xf32, #tpu.memory_space<hbm>>
      %dma_start3A_76 = tpu.memref_squeeze %dma_start3A_75 : memref<1x1x3136xf32, #tpu.memory_space<hbm>> -> memref<3136xf32, #tpu.memory_space<hbm>>
      %dma_start3A_77 = arith.constant 0 : i32
      %dma_start3A_78 = tpu.memref_slice %arg3[%add3A, %add3A_69, %dma_start3A_77] : memref<32x384x3136xf32, #tpu.memory_space<hbm>> -> memref<1x1x3136xf32, #tpu.memory_space<hbm>>
      %dma_start3A_79 = tpu.memref_squeeze %dma_start3A_78 : memref<1x1x3136xf32, #tpu.memory_space<hbm>> -> memref<3136xf32, #tpu.memory_space<hbm>>
      %dma_start3A_80 = arith.constant 0 : i32
      %dma_start3A_81 = tpu.memref_slice %arg4[%dma_start3A_70, %dma_start3A_80] : memref<16x3136xf32, #tpu.memory_space<vmem>> -> memref<1x3136xf32, #tpu.memory_space<vmem>>
      %dma_start3A_82 = tpu.memref_squeeze %dma_start3A_81 : memref<1x3136xf32, #tpu.memory_space<vmem>> -> memref<3136xf32, #tpu.memory_space<vmem>>
      tpu.enqueue_dma source(%dma_start3A_82 : memref<3136xf32, #tpu.memory_space<vmem>>) target(%dma_start3A_79 : memref<3136xf32, #tpu.memory_space<hbm>>) target_semaphore(%arg8 : memref<!tpu.dma_semaphore, #tpu.memory_space<semaphore_mem>>)
      %mul3A_83 = arith.constant 16 : i32
      %mul3A_84 = arith.muli %add3A_24, %mul3A_83 : i32
      %add3A_85 = arith.constant 3 : i32
      %add3A_86 = arith.addi %mul3A_84, %add3A_85 : i32
      %dma_start3A_87 = arith.constant 12 : i32
      %dma_start3A_88 = arith.constant 0 : i32
      %dma_start3A_89 = tpu.memref_slice %arg4[%dma_start3A_87, %dma_start3A_88] : memref<16x3136xf32, #tpu.memory_space<vmem>> -> memref<1x3136xf32, #tpu.memory_space<vmem>>
      %dma_start3A_90 = tpu.memref_squeeze %dma_start3A_89 : memref<1x3136xf32, #tpu.memory_space<vmem>> -> memref<3136xf32, #tpu.memory_space<vmem>>
      %dma_start3A_91 = arith.constant 0 : i32
      %dma_start3A_92 = tpu.memref_slice %arg3[%add3A, %add3A_86, %dma_start3A_91] : memref<32x384x3136xf32, #tpu.memory_space<hbm>> -> memref<1x1x3136xf32, #tpu.memory_space<hbm>>
      %dma_start3A_93 = tpu.memref_squeeze %dma_start3A_92 : memref<1x1x3136xf32, #tpu.memory_space<hbm>> -> memref<3136xf32, #tpu.memory_space<hbm>>
      %dma_start3A_94 = arith.constant 0 : i32
      %dma_start3A_95 = tpu.memref_slice %arg3[%add3A, %add3A_86, %dma_start3A_94] : memref<32x384x3136xf32, #tpu.memory_space<hbm>> -> memref<1x1x3136xf32, #tpu.memory_space<hbm>>
      %dma_start3A_96 = tpu.memref_squeeze %dma_start3A_95 : memref<1x1x3136xf32, #tpu.memory_space<hbm>> -> memref<3136xf32, #tpu.memory_space<hbm>>
      %dma_start3A_97 = arith.constant 0 : i32
      %dma_start3A_98 = tpu.memref_slice %arg4[%dma_start3A_87, %dma_start3A_97] : memref<16x3136xf32, #tpu.memory_space<vmem>> -> memref<1x3136xf32, #tpu.memory_space<vmem>>
      %dma_start3A_99 = tpu.memref_squeeze %dma_start3A_98 : memref<1x3136xf32, #tpu.memory_space<vmem>> -> memref<3136xf32, #tpu.memory_space<vmem>>
      tpu.enqueue_dma source(%dma_start3A_99 : memref<3136xf32, #tpu.memory_space<vmem>>) target(%dma_start3A_96 : memref<3136xf32, #tpu.memory_space<hbm>>) target_semaphore(%arg8 : memref<!tpu.dma_semaphore, #tpu.memory_space<semaphore_mem>>)
      %mul3A_100 = arith.constant 16 : i32
      %mul3A_101 = arith.muli %add3A_24, %mul3A_100 : i32
      %add3A_102 = arith.constant 4 : i32
      %add3A_103 = arith.addi %mul3A_101, %add3A_102 : i32
      %dma_start3A_104 = arith.constant 11 : i32
      %dma_start3A_105 = arith.constant 0 : i32
      %dma_start3A_106 = tpu.memref_slice %arg4[%dma_start3A_104, %dma_start3A_105] : memref<16x3136xf32, #tpu.memory_space<vmem>> -> memref<1x3136xf32, #tpu.memory_space<vmem>>
      %dma_start3A_107 = tpu.memref_squeeze %dma_start3A_106 : memref<1x3136xf32, #tpu.memory_space<vmem>> -> memref<3136xf32, #tpu.memory_space<vmem>>
      %dma_start3A_108 = arith.constant 0 : i32
      %dma_start3A_109 = tpu.memref_slice %arg3[%add3A, %add3A_103, %dma_start3A_108] : memref<32x384x3136xf32, #tpu.memory_space<hbm>> -> memref<1x1x3136xf32, #tpu.memory_space<hbm>>
      %dma_start3A_110 = tpu.memref_squeeze %dma_start3A_109 : memref<1x1x3136xf32, #tpu.memory_space<hbm>> -> memref<3136xf32, #tpu.memory_space<hbm>>
      %dma_start3A_111 = arith.constant 0 : i32
      %dma_start3A_112 = tpu.memref_slice %arg3[%add3A, %add3A_103, %dma_start3A_111] : memref<32x384x3136xf32, #tpu.memory_space<hbm>> -> memref<1x1x3136xf32, #tpu.memory_space<hbm>>
      %dma_start3A_113 = tpu.memref_squeeze %dma_start3A_112 : memref<1x1x3136xf32, #tpu.memory_space<hbm>> -> memref<3136xf32, #tpu.memory_space<hbm>>
      %dma_start3A_114 = arith.constant 0 : i32
      %dma_start3A_115 = tpu.memref_slice %arg4[%dma_start3A_104, %dma_start3A_114] : memref<16x3136xf32, #tpu.memory_space<vmem>> -> memref<1x3136xf32, #tpu.memory_space<vmem>>
      %dma_start3A_116 = tpu.memref_squeeze %dma_start3A_115 : memref<1x3136xf32, #tpu.memory_space<vmem>> -> memref<3136xf32, #tpu.memory_space<vmem>>
      tpu.enqueue_dma source(%dma_start3A_116 : memref<3136xf32, #tpu.memory_space<vmem>>) target(%dma_start3A_113 : memref<3136xf32, #tpu.memory_space<hbm>>) target_semaphore(%arg8 : memref<!tpu.dma_semaphore, #tpu.memory_space<semaphore_mem>>)
      %mul3A_117 = arith.constant 16 : i32
      %mul3A_118 = arith.muli %add3A_24, %mul3A_117 : i32
      %add3A_119 = arith.constant 5 : i32
      %add3A_120 = arith.addi %mul3A_118, %add3A_119 : i32
      %dma_start3A_121 = arith.constant 10 : i32
      %dma_start3A_122 = arith.constant 0 : i32
      %dma_start3A_123 = tpu.memref_slice %arg4[%dma_start3A_121, %dma_start3A_122] : memref<16x3136xf32, #tpu.memory_space<vmem>> -> memref<1x3136xf32, #tpu.memory_space<vmem>>
      %dma_start3A_124 = tpu.memref_squeeze %dma_start3A_123 : memref<1x3136xf32, #tpu.memory_space<vmem>> -> memref<3136xf32, #tpu.memory_space<vmem>>
      %dma_start3A_125 = arith.constant 0 : i32
      %dma_start3A_126 = tpu.memref_slice %arg3[%add3A, %add3A_120, %dma_start3A_125] : memref<32x384x3136xf32, #tpu.memory_space<hbm>> -> memref<1x1x3136xf32, #tpu.memory_space<hbm>>
      %dma_start3A_127 = tpu.memref_squeeze %dma_start3A_126 : memref<1x1x3136xf32, #tpu.memory_space<hbm>> -> memref<3136xf32, #tpu.memory_space<hbm>>
      %dma_start3A_128 = arith.constant 0 : i32
      %dma_start3A_129 = tpu.memref_slice %arg3[%add3A, %add3A_120, %dma_start3A_128] : memref<32x384x3136xf32, #tpu.memory_space<hbm>> -> memref<1x1x3136xf32, #tpu.memory_space<hbm>>
      %dma_start3A_130 = tpu.memref_squeeze %dma_start3A_129 : memref<1x1x3136xf32, #tpu.memory_space<hbm>> -> memref<3136xf32, #tpu.memory_space<hbm>>
      %dma_start3A_131 = arith.constant 0 : i32
      %dma_start3A_132 = tpu.memref_slice %arg4[%dma_start3A_121, %dma_start3A_131] : memref<16x3136xf32, #tpu.memory_space<vmem>> -> memref<1x3136xf32, #tpu.memory_space<vmem>>
      %dma_start3A_133 = tpu.memref_squeeze %dma_start3A_132 : memref<1x3136xf32, #tpu.memory_space<vmem>> -> memref<3136xf32, #tpu.memory_space<vmem>>
      tpu.enqueue_dma source(%dma_start3A_133 : memref<3136xf32, #tpu.memory_space<vmem>>) target(%dma_start3A_130 : memref<3136xf32, #tpu.memory_space<hbm>>) target_semaphore(%arg8 : memref<!tpu.dma_semaphore, #tpu.memory_space<semaphore_mem>>)
      %mul3A_134 = arith.constant 16 : i32
      %mul3A_135 = arith.muli %add3A_24, %mul3A_134 : i32
      %add3A_136 = arith.constant 6 : i32
      %add3A_137 = arith.addi %mul3A_135, %add3A_136 : i32
      %dma_start3A_138 = arith.constant 9 : i32
      %dma_start3A_139 = arith.constant 0 : i32
      %dma_start3A_140 = tpu.memref_slice %arg4[%dma_start3A_138, %dma_start3A_139] : memref<16x3136xf32, #tpu.memory_space<vmem>> -> memref<1x3136xf32, #tpu.memory_space<vmem>>
      %dma_start3A_141 = tpu.memref_squeeze %dma_start3A_140 : memref<1x3136xf32, #tpu.memory_space<vmem>> -> memref<3136xf32, #tpu.memory_space<vmem>>
      %dma_start3A_142 = arith.constant 0 : i32
      %dma_start3A_143 = tpu.memref_slice %arg3[%add3A, %add3A_137, %dma_start3A_142] : memref<32x384x3136xf32, #tpu.memory_space<hbm>> -> memref<1x1x3136xf32, #tpu.memory_space<hbm>>
      %dma_start3A_144 = tpu.memref_squeeze %dma_start3A_143 : memref<1x1x3136xf32, #tpu.memory_space<hbm>> -> memref<3136xf32, #tpu.memory_space<hbm>>
      %dma_start3A_145 = arith.constant 0 : i32
      %dma_start3A_146 = tpu.memref_slice %arg3[%add3A, %add3A_137, %dma_start3A_145] : memref<32x384x3136xf32, #tpu.memory_space<hbm>> -> memref<1x1x3136xf32, #tpu.memory_space<hbm>>
      %dma_start3A_147 = tpu.memref_squeeze %dma_start3A_146 : memref<1x1x3136xf32, #tpu.memory_space<hbm>> -> memref<3136xf32, #tpu.memory_space<hbm>>
      %dma_start3A_148 = arith.constant 0 : i32
      %dma_start3A_149 = tpu.memref_slice %arg4[%dma_start3A_138, %dma_start3A_148] : memref<16x3136xf32, #tpu.memory_space<vmem>> -> memref<1x3136xf32, #tpu.memory_space<vmem>>
      %dma_start3A_150 = tpu.memref_squeeze %dma_start3A_149 : memref<1x3136xf32, #tpu.memory_space<vmem>> -> memref<3136xf32, #tpu.memory_space<vmem>>
      tpu.enqueue_dma source(%dma_start3A_150 : memref<3136xf32, #tpu.memory_space<vmem>>) target(%dma_start3A_147 : memref<3136xf32, #tpu.memory_space<hbm>>) target_semaphore(%arg8 : memref<!tpu.dma_semaphore, #tpu.memory_space<semaphore_mem>>)
      %mul3A_151 = arith.constant 16 : i32
      %mul3A_152 = arith.muli %add3A_24, %mul3A_151 : i32
      %add3A_153 = arith.constant 7 : i32
      %add3A_154 = arith.addi %mul3A_152, %add3A_153 : i32
      %dma_start3A_155 = arith.constant 8 : i32
      %dma_start3A_156 = arith.constant 0 : i32
      %dma_start3A_157 = tpu.memref_slice %arg4[%dma_start3A_155, %dma_start3A_156] : memref<16x3136xf32, #tpu.memory_space<vmem>> -> memref<1x3136xf32, #tpu.memory_space<vmem>>
      %dma_start3A_158 = tpu.memref_squeeze %dma_start3A_157 : memref<1x3136xf32, #tpu.memory_space<vmem>> -> memref<3136xf32, #tpu.memory_space<vmem>>
      %dma_start3A_159 = arith.constant 0 : i32
      %dma_start3A_160 = tpu.memref_slice %arg3[%add3A, %add3A_154, %dma_start3A_159] : memref<32x384x3136xf32, #tpu.memory_space<hbm>> -> memref<1x1x3136xf32, #tpu.memory_space<hbm>>
      %dma_start3A_161 = tpu.memref_squeeze %dma_start3A_160 : memref<1x1x3136xf32, #tpu.memory_space<hbm>> -> memref<3136xf32, #tpu.memory_space<hbm>>
      %dma_start3A_162 = arith.constant 0 : i32
      %dma_start3A_163 = tpu.memref_slice %arg3[%add3A, %add3A_154, %dma_start3A_162] : memref<32x384x3136xf32, #tpu.memory_space<hbm>> -> memref<1x1x3136xf32, #tpu.memory_space<hbm>>
      %dma_start3A_164 = tpu.memref_squeeze %dma_start3A_163 : memref<1x1x3136xf32, #tpu.memory_space<hbm>> -> memref<3136xf32, #tpu.memory_space<hbm>>
      %dma_start3A_165 = arith.constant 0 : i32
      %dma_start3A_166 = tpu.memref_slice %arg4[%dma_start3A_155, %dma_start3A_165] : memref<16x3136xf32, #tpu.memory_space<vmem>> -> memref<1x3136xf32, #tpu.memory_space<vmem>>
      %dma_start3A_167 = tpu.memref_squeeze %dma_start3A_166 : memref<1x3136xf32, #tpu.memory_space<vmem>> -> memref<3136xf32, #tpu.memory_space<vmem>>
      tpu.enqueue_dma source(%dma_start3A_167 : memref<3136xf32, #tpu.memory_space<vmem>>) target(%dma_start3A_164 : memref<3136xf32, #tpu.memory_space<hbm>>) target_semaphore(%arg8 : memref<!tpu.dma_semaphore, #tpu.memory_space<semaphore_mem>>)
      %mul3A_168 = arith.constant 16 : i32
      %mul3A_169 = arith.muli %add3A_24, %mul3A_168 : i32
      %add3A_170 = arith.constant 8 : i32
      %add3A_171 = arith.addi %mul3A_169, %add3A_170 : i32
      %dma_start3A_172 = arith.constant 7 : i32
      %dma_start3A_173 = arith.constant 0 : i32
      %dma_start3A_174 = tpu.memref_slice %arg4[%dma_start3A_172, %dma_start3A_173] : memref<16x3136xf32, #tpu.memory_space<vmem>> -> memref<1x3136xf32, #tpu.memory_space<vmem>>
      %dma_start3A_175 = tpu.memref_squeeze %dma_start3A_174 : memref<1x3136xf32, #tpu.memory_space<vmem>> -> memref<3136xf32, #tpu.memory_space<vmem>>
      %dma_start3A_176 = arith.constant 0 : i32
      %dma_start3A_177 = tpu.memref_slice %arg3[%add3A, %add3A_171, %dma_start3A_176] : memref<32x384x3136xf32, #tpu.memory_space<hbm>> -> memref<1x1x3136xf32, #tpu.memory_space<hbm>>
      %dma_start3A_178 = tpu.memref_squeeze %dma_start3A_177 : memref<1x1x3136xf32, #tpu.memory_space<hbm>> -> memref<3136xf32, #tpu.memory_space<hbm>>
      %dma_start3A_179 = arith.constant 0 : i32
      %dma_start3A_180 = tpu.memref_slice %arg3[%add3A, %add3A_171, %dma_start3A_179] : memref<32x384x3136xf32, #tpu.memory_space<hbm>> -> memref<1x1x3136xf32, #tpu.memory_space<hbm>>
      %dma_start3A_181 = tpu.memref_squeeze %dma_start3A_180 : memref<1x1x3136xf32, #tpu.memory_space<hbm>> -> memref<3136xf32, #tpu.memory_space<hbm>>
      %dma_start3A_182 = arith.constant 0 : i32
      %dma_start3A_183 = tpu.memref_slice %arg4[%dma_start3A_172, %dma_start3A_182] : memref<16x3136xf32, #tpu.memory_space<vmem>> -> memref<1x3136xf32, #tpu.memory_space<vmem>>
      %dma_start3A_184 = tpu.memref_squeeze %dma_start3A_183 : memref<1x3136xf32, #tpu.memory_space<vmem>> -> memref<3136xf32, #tpu.memory_space<vmem>>
      tpu.enqueue_dma source(%dma_start3A_184 : memref<3136xf32, #tpu.memory_space<vmem>>) target(%dma_start3A_181 : memref<3136xf32, #tpu.memory_space<hbm>>) target_semaphore(%arg8 : memref<!tpu.dma_semaphore, #tpu.memory_space<semaphore_mem>>)
      %mul3A_185 = arith.constant 16 : i32
      %mul3A_186 = arith.muli %add3A_24, %mul3A_185 : i32
      %add3A_187 = arith.constant 9 : i32
      %add3A_188 = arith.addi %mul3A_186, %add3A_187 : i32
      %dma_start3A_189 = arith.constant 6 : i32
      %dma_start3A_190 = arith.constant 0 : i32
      %dma_start3A_191 = tpu.memref_slice %arg4[%dma_start3A_189, %dma_start3A_190] : memref<16x3136xf32, #tpu.memory_space<vmem>> -> memref<1x3136xf32, #tpu.memory_space<vmem>>
      %dma_start3A_192 = tpu.memref_squeeze %dma_start3A_191 : memref<1x3136xf32, #tpu.memory_space<vmem>> -> memref<3136xf32, #tpu.memory_space<vmem>>
      %dma_start3A_193 = arith.constant 0 : i32
      %dma_start3A_194 = tpu.memref_slice %arg3[%add3A, %add3A_188, %dma_start3A_193] : memref<32x384x3136xf32, #tpu.memory_space<hbm>> -> memref<1x1x3136xf32, #tpu.memory_space<hbm>>
      %dma_start3A_195 = tpu.memref_squeeze %dma_start3A_194 : memref<1x1x3136xf32, #tpu.memory_space<hbm>> -> memref<3136xf32, #tpu.memory_space<hbm>>
      %dma_start3A_196 = arith.constant 0 : i32
      %dma_start3A_197 = tpu.memref_slice %arg3[%add3A, %add3A_188, %dma_start3A_196] : memref<32x384x3136xf32, #tpu.memory_space<hbm>> -> memref<1x1x3136xf32, #tpu.memory_space<hbm>>
      %dma_start3A_198 = tpu.memref_squeeze %dma_start3A_197 : memref<1x1x3136xf32, #tpu.memory_space<hbm>> -> memref<3136xf32, #tpu.memory_space<hbm>>
      %dma_start3A_199 = arith.constant 0 : i32
      %dma_start3A_200 = tpu.memref_slice %arg4[%dma_start3A_189, %dma_start3A_199] : memref<16x3136xf32, #tpu.memory_space<vmem>> -> memref<1x3136xf32, #tpu.memory_space<vmem>>
      %dma_start3A_201 = tpu.memref_squeeze %dma_start3A_200 : memref<1x3136xf32, #tpu.memory_space<vmem>> -> memref<3136xf32, #tpu.memory_space<vmem>>
      tpu.enqueue_dma source(%dma_start3A_201 : memref<3136xf32, #tpu.memory_space<vmem>>) target(%dma_start3A_198 : memref<3136xf32, #tpu.memory_space<hbm>>) target_semaphore(%arg8 : memref<!tpu.dma_semaphore, #tpu.memory_space<semaphore_mem>>)
      %mul3A_202 = arith.constant 16 : i32
      %mul3A_203 = arith.muli %add3A_24, %mul3A_202 : i32
      %add3A_204 = arith.constant 10 : i32
      %add3A_205 = arith.addi %mul3A_203, %add3A_204 : i32
      %dma_start3A_206 = arith.constant 5 : i32
      %dma_start3A_207 = arith.constant 0 : i32
      %dma_start3A_208 = tpu.memref_slice %arg4[%dma_start3A_206, %dma_start3A_207] : memref<16x3136xf32, #tpu.memory_space<vmem>> -> memref<1x3136xf32, #tpu.memory_space<vmem>>
      %dma_start3A_209 = tpu.memref_squeeze %dma_start3A_208 : memref<1x3136xf32, #tpu.memory_space<vmem>> -> memref<3136xf32, #tpu.memory_space<vmem>>
      %dma_start3A_210 = arith.constant 0 : i32
      %dma_start3A_211 = tpu.memref_slice %arg3[%add3A, %add3A_205, %dma_start3A_210] : memref<32x384x3136xf32, #tpu.memory_space<hbm>> -> memref<1x1x3136xf32, #tpu.memory_space<hbm>>
      %dma_start3A_212 = tpu.memref_squeeze %dma_start3A_211 : memref<1x1x3136xf32, #tpu.memory_space<hbm>> -> memref<3136xf32, #tpu.memory_space<hbm>>
      %dma_start3A_213 = arith.constant 0 : i32
      %dma_start3A_214 = tpu.memref_slice %arg3[%add3A, %add3A_205, %dma_start3A_213] : memref<32x384x3136xf32, #tpu.memory_space<hbm>> -> memref<1x1x3136xf32, #tpu.memory_space<hbm>>
      %dma_start3A_215 = tpu.memref_squeeze %dma_start3A_214 : memref<1x1x3136xf32, #tpu.memory_space<hbm>> -> memref<3136xf32, #tpu.memory_space<hbm>>
      %dma_start3A_216 = arith.constant 0 : i32
      %dma_start3A_217 = tpu.memref_slice %arg4[%dma_start3A_206, %dma_start3A_216] : memref<16x3136xf32, #tpu.memory_space<vmem>> -> memref<1x3136xf32, #tpu.memory_space<vmem>>
      %dma_start3A_218 = tpu.memref_squeeze %dma_start3A_217 : memref<1x3136xf32, #tpu.memory_space<vmem>> -> memref<3136xf32, #tpu.memory_space<vmem>>
      tpu.enqueue_dma source(%dma_start3A_218 : memref<3136xf32, #tpu.memory_space<vmem>>) target(%dma_start3A_215 : memref<3136xf32, #tpu.memory_space<hbm>>) target_semaphore(%arg8 : memref<!tpu.dma_semaphore, #tpu.memory_space<semaphore_mem>>)
      %mul3A_219 = arith.constant 16 : i32
      %mul3A_220 = arith.muli %add3A_24, %mul3A_219 : i32
      %add3A_221 = arith.constant 11 : i32
      %add3A_222 = arith.addi %mul3A_220, %add3A_221 : i32
      %dma_start3A_223 = arith.constant 4 : i32
      %dma_start3A_224 = arith.constant 0 : i32
      %dma_start3A_225 = tpu.memref_slice %arg4[%dma_start3A_223, %dma_start3A_224] : memref<16x3136xf32, #tpu.memory_space<vmem>> -> memref<1x3136xf32, #tpu.memory_space<vmem>>
      %dma_start3A_226 = tpu.memref_squeeze %dma_start3A_225 : memref<1x3136xf32, #tpu.memory_space<vmem>> -> memref<3136xf32, #tpu.memory_space<vmem>>
      %dma_start3A_227 = arith.constant 0 : i32
      %dma_start3A_228 = tpu.memref_slice %arg3[%add3A, %add3A_222, %dma_start3A_227] : memref<32x384x3136xf32, #tpu.memory_space<hbm>> -> memref<1x1x3136xf32, #tpu.memory_space<hbm>>
      %dma_start3A_229 = tpu.memref_squeeze %dma_start3A_228 : memref<1x1x3136xf32, #tpu.memory_space<hbm>> -> memref<3136xf32, #tpu.memory_space<hbm>>
      %dma_start3A_230 = arith.constant 0 : i32
      %dma_start3A_231 = tpu.memref_slice %arg3[%add3A, %add3A_222, %dma_start3A_230] : memref<32x384x3136xf32, #tpu.memory_space<hbm>> -> memref<1x1x3136xf32, #tpu.memory_space<hbm>>
      %dma_start3A_232 = tpu.memref_squeeze %dma_start3A_231 : memref<1x1x3136xf32, #tpu.memory_space<hbm>> -> memref<3136xf32, #tpu.memory_space<hbm>>
      %dma_start3A_233 = arith.constant 0 : i32
      %dma_start3A_234 = tpu.memref_slice %arg4[%dma_start3A_223, %dma_start3A_233] : memref<16x3136xf32, #tpu.memory_space<vmem>> -> memref<1x3136xf32, #tpu.memory_space<vmem>>
      %dma_start3A_235 = tpu.memref_squeeze %dma_start3A_234 : memref<1x3136xf32, #tpu.memory_space<vmem>> -> memref<3136xf32, #tpu.memory_space<vmem>>
      tpu.enqueue_dma source(%dma_start3A_235 : memref<3136xf32, #tpu.memory_space<vmem>>) target(%dma_start3A_232 : memref<3136xf32, #tpu.memory_space<hbm>>) target_semaphore(%arg8 : memref<!tpu.dma_semaphore, #tpu.memory_space<semaphore_mem>>)
      %mul3A_236 = arith.constant 16 : i32
      %mul3A_237 = arith.muli %add3A_24, %mul3A_236 : i32
      %add3A_238 = arith.constant 12 : i32
      %add3A_239 = arith.addi %mul3A_237, %add3A_238 : i32
      %dma_start3A_240 = arith.constant 3 : i32
      %dma_start3A_241 = arith.constant 0 : i32
      %dma_start3A_242 = tpu.memref_slice %arg4[%dma_start3A_240, %dma_start3A_241] : memref<16x3136xf32, #tpu.memory_space<vmem>> -> memref<1x3136xf32, #tpu.memory_space<vmem>>
      %dma_start3A_243 = tpu.memref_squeeze %dma_start3A_242 : memref<1x3136xf32, #tpu.memory_space<vmem>> -> memref<3136xf32, #tpu.memory_space<vmem>>
      %dma_start3A_244 = arith.constant 0 : i32
      %dma_start3A_245 = tpu.memref_slice %arg3[%add3A, %add3A_239, %dma_start3A_244] : memref<32x384x3136xf32, #tpu.memory_space<hbm>> -> memref<1x1x3136xf32, #tpu.memory_space<hbm>>
      %dma_start3A_246 = tpu.memref_squeeze %dma_start3A_245 : memref<1x1x3136xf32, #tpu.memory_space<hbm>> -> memref<3136xf32, #tpu.memory_space<hbm>>
      %dma_start3A_247 = arith.constant 0 : i32
      %dma_start3A_248 = tpu.memref_slice %arg3[%add3A, %add3A_239, %dma_start3A_247] : memref<32x384x3136xf32, #tpu.memory_space<hbm>> -> memref<1x1x3136xf32, #tpu.memory_space<hbm>>
      %dma_start3A_249 = tpu.memref_squeeze %dma_start3A_248 : memref<1x1x3136xf32, #tpu.memory_space<hbm>> -> memref<3136xf32, #tpu.memory_space<hbm>>
      %dma_start3A_250 = arith.constant 0 : i32
      %dma_start3A_251 = tpu.memref_slice %arg4[%dma_start3A_240, %dma_start3A_250] : memref<16x3136xf32, #tpu.memory_space<vmem>> -> memref<1x3136xf32, #tpu.memory_space<vmem>>
      %dma_start3A_252 = tpu.memref_squeeze %dma_start3A_251 : memref<1x3136xf32, #tpu.memory_space<vmem>> -> memref<3136xf32, #tpu.memory_space<vmem>>
      tpu.enqueue_dma source(%dma_start3A_252 : memref<3136xf32, #tpu.memory_space<vmem>>) target(%dma_start3A_249 : memref<3136xf32, #tpu.memory_space<hbm>>) target_semaphore(%arg8 : memref<!tpu.dma_semaphore, #tpu.memory_space<semaphore_mem>>)
      %mul3A_253 = arith.constant 16 : i32
      %mul3A_254 = arith.muli %add3A_24, %mul3A_253 : i32
      %add3A_255 = arith.constant 13 : i32
      %add3A_256 = arith.addi %mul3A_254, %add3A_255 : i32
      %dma_start3A_257 = arith.constant 2 : i32
      %dma_start3A_258 = arith.constant 0 : i32
      %dma_start3A_259 = tpu.memref_slice %arg4[%dma_start3A_257, %dma_start3A_258] : memref<16x3136xf32, #tpu.memory_space<vmem>> -> memref<1x3136xf32, #tpu.memory_space<vmem>>
      %dma_start3A_260 = tpu.memref_squeeze %dma_start3A_259 : memref<1x3136xf32, #tpu.memory_space<vmem>> -> memref<3136xf32, #tpu.memory_space<vmem>>
      %dma_start3A_261 = arith.constant 0 : i32
      %dma_start3A_262 = tpu.memref_slice %arg3[%add3A, %add3A_256, %dma_start3A_261] : memref<32x384x3136xf32, #tpu.memory_space<hbm>> -> memref<1x1x3136xf32, #tpu.memory_space<hbm>>
      %dma_start3A_263 = tpu.memref_squeeze %dma_start3A_262 : memref<1x1x3136xf32, #tpu.memory_space<hbm>> -> memref<3136xf32, #tpu.memory_space<hbm>>
      %dma_start3A_264 = arith.constant 0 : i32
      %dma_start3A_265 = tpu.memref_slice %arg3[%add3A, %add3A_256, %dma_start3A_264] : memref<32x384x3136xf32, #tpu.memory_space<hbm>> -> memref<1x1x3136xf32, #tpu.memory_space<hbm>>
      %dma_start3A_266 = tpu.memref_squeeze %dma_start3A_265 : memref<1x1x3136xf32, #tpu.memory_space<hbm>> -> memref<3136xf32, #tpu.memory_space<hbm>>
      %dma_start3A_267 = arith.constant 0 : i32
      %dma_start3A_268 = tpu.memref_slice %arg4[%dma_start3A_257, %dma_start3A_267] : memref<16x3136xf32, #tpu.memory_space<vmem>> -> memref<1x3136xf32, #tpu.memory_space<vmem>>
      %dma_start3A_269 = tpu.memref_squeeze %dma_start3A_268 : memref<1x3136xf32, #tpu.memory_space<vmem>> -> memref<3136xf32, #tpu.memory_space<vmem>>
      tpu.enqueue_dma source(%dma_start3A_269 : memref<3136xf32, #tpu.memory_space<vmem>>) target(%dma_start3A_266 : memref<3136xf32, #tpu.memory_space<hbm>>) target_semaphore(%arg8 : memref<!tpu.dma_semaphore, #tpu.memory_space<semaphore_mem>>)
      %mul3A_270 = arith.constant 16 : i32
      %mul3A_271 = arith.muli %add3A_24, %mul3A_270 : i32
      %add3A_272 = arith.constant 14 : i32
      %add3A_273 = arith.addi %mul3A_271, %add3A_272 : i32
      %dma_start3A_274 = arith.constant 1 : i32
      %dma_start3A_275 = arith.constant 0 : i32
      %dma_start3A_276 = tpu.memref_slice %arg4[%dma_start3A_274, %dma_start3A_275] : memref<16x3136xf32, #tpu.memory_space<vmem>> -> memref<1x3136xf32, #tpu.memory_space<vmem>>
      %dma_start3A_277 = tpu.memref_squeeze %dma_start3A_276 : memref<1x3136xf32, #tpu.memory_space<vmem>> -> memref<3136xf32, #tpu.memory_space<vmem>>
      %dma_start3A_278 = arith.constant 0 : i32
      %dma_start3A_279 = tpu.memref_slice %arg3[%add3A, %add3A_273, %dma_start3A_278] : memref<32x384x3136xf32, #tpu.memory_space<hbm>> -> memref<1x1x3136xf32, #tpu.memory_space<hbm>>
      %dma_start3A_280 = tpu.memref_squeeze %dma_start3A_279 : memref<1x1x3136xf32, #tpu.memory_space<hbm>> -> memref<3136xf32, #tpu.memory_space<hbm>>
      %dma_start3A_281 = arith.constant 0 : i32
      %dma_start3A_282 = tpu.memref_slice %arg3[%add3A, %add3A_273, %dma_start3A_281] : memref<32x384x3136xf32, #tpu.memory_space<hbm>> -> memref<1x1x3136xf32, #tpu.memory_space<hbm>>
      %dma_start3A_283 = tpu.memref_squeeze %dma_start3A_282 : memref<1x1x3136xf32, #tpu.memory_space<hbm>> -> memref<3136xf32, #tpu.memory_space<hbm>>
      %dma_start3A_284 = arith.constant 0 : i32
      %dma_start3A_285 = tpu.memref_slice %arg4[%dma_start3A_274, %dma_start3A_284] : memref<16x3136xf32, #tpu.memory_space<vmem>> -> memref<1x3136xf32, #tpu.memory_space<vmem>>
      %dma_start3A_286 = tpu.memref_squeeze %dma_start3A_285 : memref<1x3136xf32, #tpu.memory_space<vmem>> -> memref<3136xf32, #tpu.memory_space<vmem>>
      tpu.enqueue_dma source(%dma_start3A_286 : memref<3136xf32, #tpu.memory_space<vmem>>) target(%dma_start3A_283 : memref<3136xf32, #tpu.memory_space<hbm>>) target_semaphore(%arg8 : memref<!tpu.dma_semaphore, #tpu.memory_space<semaphore_mem>>)
      %mul3A_287 = arith.constant 16 : i32
      %mul3A_288 = arith.muli %add3A_24, %mul3A_287 : i32
      %add3A_289 = arith.constant 15 : i32
      %add3A_290 = arith.addi %mul3A_288, %add3A_289 : i32
      %dma_start3A_291 = arith.constant 0 : i32
      %dma_start3A_292 = arith.constant 0 : i32
      %dma_start3A_293 = tpu.memref_slice %arg4[%dma_start3A_291, %dma_start3A_292] : memref<16x3136xf32, #tpu.memory_space<vmem>> -> memref<1x3136xf32, #tpu.memory_space<vmem>>
      %dma_start3A_294 = tpu.memref_squeeze %dma_start3A_293 : memref<1x3136xf32, #tpu.memory_space<vmem>> -> memref<3136xf32, #tpu.memory_space<vmem>>
      %dma_start3A_295 = arith.constant 0 : i32
      %dma_start3A_296 = tpu.memref_slice %arg3[%add3A, %add3A_290, %dma_start3A_295] : memref<32x384x3136xf32, #tpu.memory_space<hbm>> -> memref<1x1x3136xf32, #tpu.memory_space<hbm>>
      %dma_start3A_297 = tpu.memref_squeeze %dma_start3A_296 : memref<1x1x3136xf32, #tpu.memory_space<hbm>> -> memref<3136xf32, #tpu.memory_space<hbm>>
      %dma_start3A_298 = arith.constant 0 : i32
      %dma_start3A_299 = tpu.memref_slice %arg3[%add3A, %add3A_290, %dma_start3A_298] : memref<32x384x3136xf32, #tpu.memory_space<hbm>> -> memref<1x1x3136xf32, #tpu.memory_space<hbm>>
      %dma_start3A_300 = tpu.memref_squeeze %dma_start3A_299 : memref<1x1x3136xf32, #tpu.memory_space<hbm>> -> memref<3136xf32, #tpu.memory_space<hbm>>
      %dma_start3A_301 = arith.constant 0 : i32
      %dma_start3A_302 = tpu.memref_slice %arg4[%dma_start3A_291, %dma_start3A_301] : memref<16x3136xf32, #tpu.memory_space<vmem>> -> memref<1x3136xf32, #tpu.memory_space<vmem>>
      %dma_start3A_303 = tpu.memref_squeeze %dma_start3A_302 : memref<1x3136xf32, #tpu.memory_space<vmem>> -> memref<3136xf32, #tpu.memory_space<vmem>>
      tpu.enqueue_dma source(%dma_start3A_303 : memref<3136xf32, #tpu.memory_space<vmem>>) target(%dma_start3A_300 : memref<3136xf32, #tpu.memory_space<hbm>>) target_semaphore(%arg8 : memref<!tpu.dma_semaphore, #tpu.memory_space<semaphore_mem>>)
      %dma_wait3A_304 = arith.constant 0 : i32
      %dma_wait3A_305 = arith.constant 0 : i32
      %dma_wait3A_306 = tpu.memref_slice %arg2[%add3A, %dma_wait3A_304, %dma_wait3A_305] : memref<32x384x3136xf32, #tpu.memory_space<hbm>> -> memref<1x16x3136xf32, #tpu.memory_space<hbm>>
      %dma_wait3A_307 = tpu.memref_squeeze %dma_wait3A_306 : memref<1x16x3136xf32, #tpu.memory_space<hbm>> -> memref<16x3136xf32, #tpu.memory_space<hbm>>
      %dma_wait3A_308 = arith.constant 0 : i32
      %dma_wait3A_309 = arith.constant 0 : i32
      %dma_wait3A_310 = tpu.memref_slice %arg2[%add3A, %dma_wait3A_308, %dma_wait3A_309] : memref<32x384x3136xf32, #tpu.memory_space<hbm>> -> memref<1x16x3136xf32, #tpu.memory_space<hbm>>
      %dma_wait3A_311 = tpu.memref_squeeze %dma_wait3A_310 : memref<1x16x3136xf32, #tpu.memory_space<hbm>> -> memref<16x3136xf32, #tpu.memory_space<hbm>>
      tpu.wait_dma2 semaphore(%arg8 : memref<!tpu.dma_semaphore, #tpu.memory_space<semaphore_mem>>) src(%arg4 : memref<16x3136xf32, #tpu.memory_space<vmem>>) dst(%dma_wait3A_311 : memref<16x3136xf32, #tpu.memory_space<hbm>>)
      %add3A_312 = arith.constant 2 : i32
      %add3A_313 = arith.addi %add3A_24, %add3A_312 : i32
      %lt3A = arith.constant 24 : i32
      %lt3A_314 = arith.cmpi slt, %add3A_313, %lt3A : i32
      %convert_element_type3A = arith.extui %lt3A_314 : i1 to i32
      %cond3A = arith.constant 0 : i32
      %cond3A_315 = arith.cmpi ne, %convert_element_type3A, %cond3A : i32
      scf.if %cond3A_315 {
        %add3A_613 = arith.constant 2 : i32
        %add3A_614 = arith.addi %add3A_24, %add3A_613 : i32
        %add3A_615 = arith.constant 1 : i32
        %add3A_616 = arith.addi %add3A_614, %add3A_615 : i32
        %mul3A_617 = arith.constant 16 : i32
        %mul3A_618 = arith.muli %add3A_616, %mul3A_617 : i32
        %sub3A = arith.constant 384 : i32
        %sub3A_619 = arith.subi %sub3A, %mul3A_618 : i32
        %dma_start3A_620 = arith.constant 0 : i32
        %dma_start3A_621 = tpu.memref_slice %arg2[%add3A, %sub3A_619, %dma_start3A_620] : memref<32x384x3136xf32, #tpu.memory_space<hbm>> -> memref<1x16x3136xf32, #tpu.memory_space<hbm>>
        %dma_start3A_622 = tpu.memref_squeeze %dma_start3A_621 : memref<1x16x3136xf32, #tpu.memory_space<hbm>> -> memref<16x3136xf32, #tpu.memory_space<hbm>>
        %dma_start3A_623 = arith.constant 0 : i32
        %dma_start3A_624 = tpu.memref_slice %arg2[%add3A, %sub3A_619, %dma_start3A_623] : memref<32x384x3136xf32, #tpu.memory_space<hbm>> -> memref<1x16x3136xf32, #tpu.memory_space<hbm>>
        %dma_start3A_625 = tpu.memref_squeeze %dma_start3A_624 : memref<1x16x3136xf32, #tpu.memory_space<hbm>> -> memref<16x3136xf32, #tpu.memory_space<hbm>>
        tpu.enqueue_dma source(%dma_start3A_625 : memref<16x3136xf32, #tpu.memory_space<hbm>>) target(%arg4 : memref<16x3136xf32, #tpu.memory_space<vmem>>) target_semaphore(%arg6 : memref<!tpu.dma_semaphore, #tpu.memory_space<semaphore_mem>>)
      } else {
      }
      %dma_wait3A_316 = arith.constant 0 : i32
      %dma_wait3A_317 = arith.constant 0 : i32
      %dma_wait3A_318 = tpu.memref_slice %arg2[%add3A, %dma_wait3A_316, %dma_wait3A_317] : memref<32x384x3136xf32, #tpu.memory_space<hbm>> -> memref<1x16x3136xf32, #tpu.memory_space<hbm>>
      %dma_wait3A_319 = tpu.memref_squeeze %dma_wait3A_318 : memref<1x16x3136xf32, #tpu.memory_space<hbm>> -> memref<16x3136xf32, #tpu.memory_space<hbm>>
      %dma_wait3A_320 = arith.constant 0 : i32
      %dma_wait3A_321 = arith.constant 0 : i32
      %dma_wait3A_322 = tpu.memref_slice %arg2[%add3A, %dma_wait3A_320, %dma_wait3A_321] : memref<32x384x3136xf32, #tpu.memory_space<hbm>> -> memref<1x16x3136xf32, #tpu.memory_space<hbm>>
      %dma_wait3A_323 = tpu.memref_squeeze %dma_wait3A_322 : memref<1x16x3136xf32, #tpu.memory_space<hbm>> -> memref<16x3136xf32, #tpu.memory_space<hbm>>
      tpu.wait_dma2 semaphore(%arg7 : memref<!tpu.dma_semaphore, #tpu.memory_space<semaphore_mem>>) src(%dma_wait3A_323 : memref<16x3136xf32, #tpu.memory_space<hbm>>) dst(%arg5 : memref<16x3136xf32, #tpu.memory_space<vmem>>)
      %add3A_324 = arith.constant 1 : i32
      %add3A_325 = arith.addi %add3A_24, %add3A_324 : i32
      %mul3A_326 = arith.constant 16 : i32
      %mul3A_327 = arith.muli %add3A_325, %mul3A_326 : i32
      %add3A_328 = arith.constant 0 : i32
      %add3A_329 = arith.addi %mul3A_327, %add3A_328 : i32
      %dma_start3A_330 = arith.constant 15 : i32
      %dma_start3A_331 = arith.constant 0 : i32
      %dma_start3A_332 = tpu.memref_slice %arg5[%dma_start3A_330, %dma_start3A_331] : memref<16x3136xf32, #tpu.memory_space<vmem>> -> memref<1x3136xf32, #tpu.memory_space<vmem>>
      %dma_start3A_333 = tpu.memref_squeeze %dma_start3A_332 : memref<1x3136xf32, #tpu.memory_space<vmem>> -> memref<3136xf32, #tpu.memory_space<vmem>>
      %dma_start3A_334 = arith.constant 0 : i32
      %dma_start3A_335 = tpu.memref_slice %arg3[%add3A, %add3A_329, %dma_start3A_334] : memref<32x384x3136xf32, #tpu.memory_space<hbm>> -> memref<1x1x3136xf32, #tpu.memory_space<hbm>>
      %dma_start3A_336 = tpu.memref_squeeze %dma_start3A_335 : memref<1x1x3136xf32, #tpu.memory_space<hbm>> -> memref<3136xf32, #tpu.memory_space<hbm>>
      %dma_start3A_337 = arith.constant 0 : i32
      %dma_start3A_338 = tpu.memref_slice %arg3[%add3A, %add3A_329, %dma_start3A_337] : memref<32x384x3136xf32, #tpu.memory_space<hbm>> -> memref<1x1x3136xf32, #tpu.memory_space<hbm>>
      %dma_start3A_339 = tpu.memref_squeeze %dma_start3A_338 : memref<1x1x3136xf32, #tpu.memory_space<hbm>> -> memref<3136xf32, #tpu.memory_space<hbm>>
      %dma_start3A_340 = arith.constant 0 : i32
      %dma_start3A_341 = tpu.memref_slice %arg5[%dma_start3A_330, %dma_start3A_340] : memref<16x3136xf32, #tpu.memory_space<vmem>> -> memref<1x3136xf32, #tpu.memory_space<vmem>>
      %dma_start3A_342 = tpu.memref_squeeze %dma_start3A_341 : memref<1x3136xf32, #tpu.memory_space<vmem>> -> memref<3136xf32, #tpu.memory_space<vmem>>
      tpu.enqueue_dma source(%dma_start3A_342 : memref<3136xf32, #tpu.memory_space<vmem>>) target(%dma_start3A_339 : memref<3136xf32, #tpu.memory_space<hbm>>) target_semaphore(%arg9 : memref<!tpu.dma_semaphore, #tpu.memory_space<semaphore_mem>>)
      %mul3A_343 = arith.constant 16 : i32
      %mul3A_344 = arith.muli %add3A_325, %mul3A_343 : i32
      %add3A_345 = arith.constant 1 : i32
      %add3A_346 = arith.addi %mul3A_344, %add3A_345 : i32
      %dma_start3A_347 = arith.constant 14 : i32
      %dma_start3A_348 = arith.constant 0 : i32
      %dma_start3A_349 = tpu.memref_slice %arg5[%dma_start3A_347, %dma_start3A_348] : memref<16x3136xf32, #tpu.memory_space<vmem>> -> memref<1x3136xf32, #tpu.memory_space<vmem>>
      %dma_start3A_350 = tpu.memref_squeeze %dma_start3A_349 : memref<1x3136xf32, #tpu.memory_space<vmem>> -> memref<3136xf32, #tpu.memory_space<vmem>>
      %dma_start3A_351 = arith.constant 0 : i32
      %dma_start3A_352 = tpu.memref_slice %arg3[%add3A, %add3A_346, %dma_start3A_351] : memref<32x384x3136xf32, #tpu.memory_space<hbm>> -> memref<1x1x3136xf32, #tpu.memory_space<hbm>>
      %dma_start3A_353 = tpu.memref_squeeze %dma_start3A_352 : memref<1x1x3136xf32, #tpu.memory_space<hbm>> -> memref<3136xf32, #tpu.memory_space<hbm>>
      %dma_start3A_354 = arith.constant 0 : i32
      %dma_start3A_355 = tpu.memref_slice %arg3[%add3A, %add3A_346, %dma_start3A_354] : memref<32x384x3136xf32, #tpu.memory_space<hbm>> -> memref<1x1x3136xf32, #tpu.memory_space<hbm>>
      %dma_start3A_356 = tpu.memref_squeeze %dma_start3A_355 : memref<1x1x3136xf32, #tpu.memory_space<hbm>> -> memref<3136xf32, #tpu.memory_space<hbm>>
      %dma_start3A_357 = arith.constant 0 : i32
      %dma_start3A_358 = tpu.memref_slice %arg5[%dma_start3A_347, %dma_start3A_357] : memref<16x3136xf32, #tpu.memory_space<vmem>> -> memref<1x3136xf32, #tpu.memory_space<vmem>>
      %dma_start3A_359 = tpu.memref_squeeze %dma_start3A_358 : memref<1x3136xf32, #tpu.memory_space<vmem>> -> memref<3136xf32, #tpu.memory_space<vmem>>
      tpu.enqueue_dma source(%dma_start3A_359 : memref<3136xf32, #tpu.memory_space<vmem>>) target(%dma_start3A_356 : memref<3136xf32, #tpu.memory_space<hbm>>) target_semaphore(%arg9 : memref<!tpu.dma_semaphore, #tpu.memory_space<semaphore_mem>>)
      %mul3A_360 = arith.constant 16 : i32
      %mul3A_361 = arith.muli %add3A_325, %mul3A_360 : i32
      %add3A_362 = arith.constant 2 : i32
      %add3A_363 = arith.addi %mul3A_361, %add3A_362 : i32
      %dma_start3A_364 = arith.constant 13 : i32
      %dma_start3A_365 = arith.constant 0 : i32
      %dma_start3A_366 = tpu.memref_slice %arg5[%dma_start3A_364, %dma_start3A_365] : memref<16x3136xf32, #tpu.memory_space<vmem>> -> memref<1x3136xf32, #tpu.memory_space<vmem>>
      %dma_start3A_367 = tpu.memref_squeeze %dma_start3A_366 : memref<1x3136xf32, #tpu.memory_space<vmem>> -> memref<3136xf32, #tpu.memory_space<vmem>>
      %dma_start3A_368 = arith.constant 0 : i32
      %dma_start3A_369 = tpu.memref_slice %arg3[%add3A, %add3A_363, %dma_start3A_368] : memref<32x384x3136xf32, #tpu.memory_space<hbm>> -> memref<1x1x3136xf32, #tpu.memory_space<hbm>>
      %dma_start3A_370 = tpu.memref_squeeze %dma_start3A_369 : memref<1x1x3136xf32, #tpu.memory_space<hbm>> -> memref<3136xf32, #tpu.memory_space<hbm>>
      %dma_start3A_371 = arith.constant 0 : i32
      %dma_start3A_372 = tpu.memref_slice %arg3[%add3A, %add3A_363, %dma_start3A_371] : memref<32x384x3136xf32, #tpu.memory_space<hbm>> -> memref<1x1x3136xf32, #tpu.memory_space<hbm>>
      %dma_start3A_373 = tpu.memref_squeeze %dma_start3A_372 : memref<1x1x3136xf32, #tpu.memory_space<hbm>> -> memref<3136xf32, #tpu.memory_space<hbm>>
      %dma_start3A_374 = arith.constant 0 : i32
      %dma_start3A_375 = tpu.memref_slice %arg5[%dma_start3A_364, %dma_start3A_374] : memref<16x3136xf32, #tpu.memory_space<vmem>> -> memref<1x3136xf32, #tpu.memory_space<vmem>>
      %dma_start3A_376 = tpu.memref_squeeze %dma_start3A_375 : memref<1x3136xf32, #tpu.memory_space<vmem>> -> memref<3136xf32, #tpu.memory_space<vmem>>
      tpu.enqueue_dma source(%dma_start3A_376 : memref<3136xf32, #tpu.memory_space<vmem>>) target(%dma_start3A_373 : memref<3136xf32, #tpu.memory_space<hbm>>) target_semaphore(%arg9 : memref<!tpu.dma_semaphore, #tpu.memory_space<semaphore_mem>>)
      %mul3A_377 = arith.constant 16 : i32
      %mul3A_378 = arith.muli %add3A_325, %mul3A_377 : i32
      %add3A_379 = arith.constant 3 : i32
      %add3A_380 = arith.addi %mul3A_378, %add3A_379 : i32
      %dma_start3A_381 = arith.constant 12 : i32
      %dma_start3A_382 = arith.constant 0 : i32
      %dma_start3A_383 = tpu.memref_slice %arg5[%dma_start3A_381, %dma_start3A_382] : memref<16x3136xf32, #tpu.memory_space<vmem>> -> memref<1x3136xf32, #tpu.memory_space<vmem>>
      %dma_start3A_384 = tpu.memref_squeeze %dma_start3A_383 : memref<1x3136xf32, #tpu.memory_space<vmem>> -> memref<3136xf32, #tpu.memory_space<vmem>>
      %dma_start3A_385 = arith.constant 0 : i32
      %dma_start3A_386 = tpu.memref_slice %arg3[%add3A, %add3A_380, %dma_start3A_385] : memref<32x384x3136xf32, #tpu.memory_space<hbm>> -> memref<1x1x3136xf32, #tpu.memory_space<hbm>>
      %dma_start3A_387 = tpu.memref_squeeze %dma_start3A_386 : memref<1x1x3136xf32, #tpu.memory_space<hbm>> -> memref<3136xf32, #tpu.memory_space<hbm>>
      %dma_start3A_388 = arith.constant 0 : i32
      %dma_start3A_389 = tpu.memref_slice %arg3[%add3A, %add3A_380, %dma_start3A_388] : memref<32x384x3136xf32, #tpu.memory_space<hbm>> -> memref<1x1x3136xf32, #tpu.memory_space<hbm>>
      %dma_start3A_390 = tpu.memref_squeeze %dma_start3A_389 : memref<1x1x3136xf32, #tpu.memory_space<hbm>> -> memref<3136xf32, #tpu.memory_space<hbm>>
      %dma_start3A_391 = arith.constant 0 : i32
      %dma_start3A_392 = tpu.memref_slice %arg5[%dma_start3A_381, %dma_start3A_391] : memref<16x3136xf32, #tpu.memory_space<vmem>> -> memref<1x3136xf32, #tpu.memory_space<vmem>>
      %dma_start3A_393 = tpu.memref_squeeze %dma_start3A_392 : memref<1x3136xf32, #tpu.memory_space<vmem>> -> memref<3136xf32, #tpu.memory_space<vmem>>
      tpu.enqueue_dma source(%dma_start3A_393 : memref<3136xf32, #tpu.memory_space<vmem>>) target(%dma_start3A_390 : memref<3136xf32, #tpu.memory_space<hbm>>) target_semaphore(%arg9 : memref<!tpu.dma_semaphore, #tpu.memory_space<semaphore_mem>>)
      %mul3A_394 = arith.constant 16 : i32
      %mul3A_395 = arith.muli %add3A_325, %mul3A_394 : i32
      %add3A_396 = arith.constant 4 : i32
      %add3A_397 = arith.addi %mul3A_395, %add3A_396 : i32
      %dma_start3A_398 = arith.constant 11 : i32
      %dma_start3A_399 = arith.constant 0 : i32
      %dma_start3A_400 = tpu.memref_slice %arg5[%dma_start3A_398, %dma_start3A_399] : memref<16x3136xf32, #tpu.memory_space<vmem>> -> memref<1x3136xf32, #tpu.memory_space<vmem>>
      %dma_start3A_401 = tpu.memref_squeeze %dma_start3A_400 : memref<1x3136xf32, #tpu.memory_space<vmem>> -> memref<3136xf32, #tpu.memory_space<vmem>>
      %dma_start3A_402 = arith.constant 0 : i32
      %dma_start3A_403 = tpu.memref_slice %arg3[%add3A, %add3A_397, %dma_start3A_402] : memref<32x384x3136xf32, #tpu.memory_space<hbm>> -> memref<1x1x3136xf32, #tpu.memory_space<hbm>>
      %dma_start3A_404 = tpu.memref_squeeze %dma_start3A_403 : memref<1x1x3136xf32, #tpu.memory_space<hbm>> -> memref<3136xf32, #tpu.memory_space<hbm>>
      %dma_start3A_405 = arith.constant 0 : i32
      %dma_start3A_406 = tpu.memref_slice %arg3[%add3A, %add3A_397, %dma_start3A_405] : memref<32x384x3136xf32, #tpu.memory_space<hbm>> -> memref<1x1x3136xf32, #tpu.memory_space<hbm>>
      %dma_start3A_407 = tpu.memref_squeeze %dma_start3A_406 : memref<1x1x3136xf32, #tpu.memory_space<hbm>> -> memref<3136xf32, #tpu.memory_space<hbm>>
      %dma_start3A_408 = arith.constant 0 : i32
      %dma_start3A_409 = tpu.memref_slice %arg5[%dma_start3A_398, %dma_start3A_408] : memref<16x3136xf32, #tpu.memory_space<vmem>> -> memref<1x3136xf32, #tpu.memory_space<vmem>>
      %dma_start3A_410 = tpu.memref_squeeze %dma_start3A_409 : memref<1x3136xf32, #tpu.memory_space<vmem>> -> memref<3136xf32, #tpu.memory_space<vmem>>
      tpu.enqueue_dma source(%dma_start3A_410 : memref<3136xf32, #tpu.memory_space<vmem>>) target(%dma_start3A_407 : memref<3136xf32, #tpu.memory_space<hbm>>) target_semaphore(%arg9 : memref<!tpu.dma_semaphore, #tpu.memory_space<semaphore_mem>>)
      %mul3A_411 = arith.constant 16 : i32
      %mul3A_412 = arith.muli %add3A_325, %mul3A_411 : i32
      %add3A_413 = arith.constant 5 : i32
      %add3A_414 = arith.addi %mul3A_412, %add3A_413 : i32
      %dma_start3A_415 = arith.constant 10 : i32
      %dma_start3A_416 = arith.constant 0 : i32
      %dma_start3A_417 = tpu.memref_slice %arg5[%dma_start3A_415, %dma_start3A_416] : memref<16x3136xf32, #tpu.memory_space<vmem>> -> memref<1x3136xf32, #tpu.memory_space<vmem>>
      %dma_start3A_418 = tpu.memref_squeeze %dma_start3A_417 : memref<1x3136xf32, #tpu.memory_space<vmem>> -> memref<3136xf32, #tpu.memory_space<vmem>>
      %dma_start3A_419 = arith.constant 0 : i32
      %dma_start3A_420 = tpu.memref_slice %arg3[%add3A, %add3A_414, %dma_start3A_419] : memref<32x384x3136xf32, #tpu.memory_space<hbm>> -> memref<1x1x3136xf32, #tpu.memory_space<hbm>>
      %dma_start3A_421 = tpu.memref_squeeze %dma_start3A_420 : memref<1x1x3136xf32, #tpu.memory_space<hbm>> -> memref<3136xf32, #tpu.memory_space<hbm>>
      %dma_start3A_422 = arith.constant 0 : i32
      %dma_start3A_423 = tpu.memref_slice %arg3[%add3A, %add3A_414, %dma_start3A_422] : memref<32x384x3136xf32, #tpu.memory_space<hbm>> -> memref<1x1x3136xf32, #tpu.memory_space<hbm>>
      %dma_start3A_424 = tpu.memref_squeeze %dma_start3A_423 : memref<1x1x3136xf32, #tpu.memory_space<hbm>> -> memref<3136xf32, #tpu.memory_space<hbm>>
      %dma_start3A_425 = arith.constant 0 : i32
      %dma_start3A_426 = tpu.memref_slice %arg5[%dma_start3A_415, %dma_start3A_425] : memref<16x3136xf32, #tpu.memory_space<vmem>> -> memref<1x3136xf32, #tpu.memory_space<vmem>>
      %dma_start3A_427 = tpu.memref_squeeze %dma_start3A_426 : memref<1x3136xf32, #tpu.memory_space<vmem>> -> memref<3136xf32, #tpu.memory_space<vmem>>
      tpu.enqueue_dma source(%dma_start3A_427 : memref<3136xf32, #tpu.memory_space<vmem>>) target(%dma_start3A_424 : memref<3136xf32, #tpu.memory_space<hbm>>) target_semaphore(%arg9 : memref<!tpu.dma_semaphore, #tpu.memory_space<semaphore_mem>>)
      %mul3A_428 = arith.constant 16 : i32
      %mul3A_429 = arith.muli %add3A_325, %mul3A_428 : i32
      %add3A_430 = arith.constant 6 : i32
      %add3A_431 = arith.addi %mul3A_429, %add3A_430 : i32
      %dma_start3A_432 = arith.constant 9 : i32
      %dma_start3A_433 = arith.constant 0 : i32
      %dma_start3A_434 = tpu.memref_slice %arg5[%dma_start3A_432, %dma_start3A_433] : memref<16x3136xf32, #tpu.memory_space<vmem>> -> memref<1x3136xf32, #tpu.memory_space<vmem>>
      %dma_start3A_435 = tpu.memref_squeeze %dma_start3A_434 : memref<1x3136xf32, #tpu.memory_space<vmem>> -> memref<3136xf32, #tpu.memory_space<vmem>>
      %dma_start3A_436 = arith.constant 0 : i32
      %dma_start3A_437 = tpu.memref_slice %arg3[%add3A, %add3A_431, %dma_start3A_436] : memref<32x384x3136xf32, #tpu.memory_space<hbm>> -> memref<1x1x3136xf32, #tpu.memory_space<hbm>>
      %dma_start3A_438 = tpu.memref_squeeze %dma_start3A_437 : memref<1x1x3136xf32, #tpu.memory_space<hbm>> -> memref<3136xf32, #tpu.memory_space<hbm>>
      %dma_start3A_439 = arith.constant 0 : i32
      %dma_start3A_440 = tpu.memref_slice %arg3[%add3A, %add3A_431, %dma_start3A_439] : memref<32x384x3136xf32, #tpu.memory_space<hbm>> -> memref<1x1x3136xf32, #tpu.memory_space<hbm>>
      %dma_start3A_441 = tpu.memref_squeeze %dma_start3A_440 : memref<1x1x3136xf32, #tpu.memory_space<hbm>> -> memref<3136xf32, #tpu.memory_space<hbm>>
      %dma_start3A_442 = arith.constant 0 : i32
      %dma_start3A_443 = tpu.memref_slice %arg5[%dma_start3A_432, %dma_start3A_442] : memref<16x3136xf32, #tpu.memory_space<vmem>> -> memref<1x3136xf32, #tpu.memory_space<vmem>>
      %dma_start3A_444 = tpu.memref_squeeze %dma_start3A_443 : memref<1x3136xf32, #tpu.memory_space<vmem>> -> memref<3136xf32, #tpu.memory_space<vmem>>
      tpu.enqueue_dma source(%dma_start3A_444 : memref<3136xf32, #tpu.memory_space<vmem>>) target(%dma_start3A_441 : memref<3136xf32, #tpu.memory_space<hbm>>) target_semaphore(%arg9 : memref<!tpu.dma_semaphore, #tpu.memory_space<semaphore_mem>>)
      %mul3A_445 = arith.constant 16 : i32
      %mul3A_446 = arith.muli %add3A_325, %mul3A_445 : i32
      %add3A_447 = arith.constant 7 : i32
      %add3A_448 = arith.addi %mul3A_446, %add3A_447 : i32
      %dma_start3A_449 = arith.constant 8 : i32
      %dma_start3A_450 = arith.constant 0 : i32
      %dma_start3A_451 = tpu.memref_slice %arg5[%dma_start3A_449, %dma_start3A_450] : memref<16x3136xf32, #tpu.memory_space<vmem>> -> memref<1x3136xf32, #tpu.memory_space<vmem>>
      %dma_start3A_452 = tpu.memref_squeeze %dma_start3A_451 : memref<1x3136xf32, #tpu.memory_space<vmem>> -> memref<3136xf32, #tpu.memory_space<vmem>>
      %dma_start3A_453 = arith.constant 0 : i32
      %dma_start3A_454 = tpu.memref_slice %arg3[%add3A, %add3A_448, %dma_start3A_453] : memref<32x384x3136xf32, #tpu.memory_space<hbm>> -> memref<1x1x3136xf32, #tpu.memory_space<hbm>>
      %dma_start3A_455 = tpu.memref_squeeze %dma_start3A_454 : memref<1x1x3136xf32, #tpu.memory_space<hbm>> -> memref<3136xf32, #tpu.memory_space<hbm>>
      %dma_start3A_456 = arith.constant 0 : i32
      %dma_start3A_457 = tpu.memref_slice %arg3[%add3A, %add3A_448, %dma_start3A_456] : memref<32x384x3136xf32, #tpu.memory_space<hbm>> -> memref<1x1x3136xf32, #tpu.memory_space<hbm>>
      %dma_start3A_458 = tpu.memref_squeeze %dma_start3A_457 : memref<1x1x3136xf32, #tpu.memory_space<hbm>> -> memref<3136xf32, #tpu.memory_space<hbm>>
      %dma_start3A_459 = arith.constant 0 : i32
      %dma_start3A_460 = tpu.memref_slice %arg5[%dma_start3A_449, %dma_start3A_459] : memref<16x3136xf32, #tpu.memory_space<vmem>> -> memref<1x3136xf32, #tpu.memory_space<vmem>>
      %dma_start3A_461 = tpu.memref_squeeze %dma_start3A_460 : memref<1x3136xf32, #tpu.memory_space<vmem>> -> memref<3136xf32, #tpu.memory_space<vmem>>
      tpu.enqueue_dma source(%dma_start3A_461 : memref<3136xf32, #tpu.memory_space<vmem>>) target(%dma_start3A_458 : memref<3136xf32, #tpu.memory_space<hbm>>) target_semaphore(%arg9 : memref<!tpu.dma_semaphore, #tpu.memory_space<semaphore_mem>>)
      %mul3A_462 = arith.constant 16 : i32
      %mul3A_463 = arith.muli %add3A_325, %mul3A_462 : i32
      %add3A_464 = arith.constant 8 : i32
      %add3A_465 = arith.addi %mul3A_463, %add3A_464 : i32
      %dma_start3A_466 = arith.constant 7 : i32
      %dma_start3A_467 = arith.constant 0 : i32
      %dma_start3A_468 = tpu.memref_slice %arg5[%dma_start3A_466, %dma_start3A_467] : memref<16x3136xf32, #tpu.memory_space<vmem>> -> memref<1x3136xf32, #tpu.memory_space<vmem>>
      %dma_start3A_469 = tpu.memref_squeeze %dma_start3A_468 : memref<1x3136xf32, #tpu.memory_space<vmem>> -> memref<3136xf32, #tpu.memory_space<vmem>>
      %dma_start3A_470 = arith.constant 0 : i32
      %dma_start3A_471 = tpu.memref_slice %arg3[%add3A, %add3A_465, %dma_start3A_470] : memref<32x384x3136xf32, #tpu.memory_space<hbm>> -> memref<1x1x3136xf32, #tpu.memory_space<hbm>>
      %dma_start3A_472 = tpu.memref_squeeze %dma_start3A_471 : memref<1x1x3136xf32, #tpu.memory_space<hbm>> -> memref<3136xf32, #tpu.memory_space<hbm>>
      %dma_start3A_473 = arith.constant 0 : i32
      %dma_start3A_474 = tpu.memref_slice %arg3[%add3A, %add3A_465, %dma_start3A_473] : memref<32x384x3136xf32, #tpu.memory_space<hbm>> -> memref<1x1x3136xf32, #tpu.memory_space<hbm>>
      %dma_start3A_475 = tpu.memref_squeeze %dma_start3A_474 : memref<1x1x3136xf32, #tpu.memory_space<hbm>> -> memref<3136xf32, #tpu.memory_space<hbm>>
      %dma_start3A_476 = arith.constant 0 : i32
      %dma_start3A_477 = tpu.memref_slice %arg5[%dma_start3A_466, %dma_start3A_476] : memref<16x3136xf32, #tpu.memory_space<vmem>> -> memref<1x3136xf32, #tpu.memory_space<vmem>>
      %dma_start3A_478 = tpu.memref_squeeze %dma_start3A_477 : memref<1x3136xf32, #tpu.memory_space<vmem>> -> memref<3136xf32, #tpu.memory_space<vmem>>
      tpu.enqueue_dma source(%dma_start3A_478 : memref<3136xf32, #tpu.memory_space<vmem>>) target(%dma_start3A_475 : memref<3136xf32, #tpu.memory_space<hbm>>) target_semaphore(%arg9 : memref<!tpu.dma_semaphore, #tpu.memory_space<semaphore_mem>>)
      %mul3A_479 = arith.constant 16 : i32
      %mul3A_480 = arith.muli %add3A_325, %mul3A_479 : i32
      %add3A_481 = arith.constant 9 : i32
      %add3A_482 = arith.addi %mul3A_480, %add3A_481 : i32
      %dma_start3A_483 = arith.constant 6 : i32
      %dma_start3A_484 = arith.constant 0 : i32
      %dma_start3A_485 = tpu.memref_slice %arg5[%dma_start3A_483, %dma_start3A_484] : memref<16x3136xf32, #tpu.memory_space<vmem>> -> memref<1x3136xf32, #tpu.memory_space<vmem>>
      %dma_start3A_486 = tpu.memref_squeeze %dma_start3A_485 : memref<1x3136xf32, #tpu.memory_space<vmem>> -> memref<3136xf32, #tpu.memory_space<vmem>>
      %dma_start3A_487 = arith.constant 0 : i32
      %dma_start3A_488 = tpu.memref_slice %arg3[%add3A, %add3A_482, %dma_start3A_487] : memref<32x384x3136xf32, #tpu.memory_space<hbm>> -> memref<1x1x3136xf32, #tpu.memory_space<hbm>>
      %dma_start3A_489 = tpu.memref_squeeze %dma_start3A_488 : memref<1x1x3136xf32, #tpu.memory_space<hbm>> -> memref<3136xf32, #tpu.memory_space<hbm>>
      %dma_start3A_490 = arith.constant 0 : i32
      %dma_start3A_491 = tpu.memref_slice %arg3[%add3A, %add3A_482, %dma_start3A_490] : memref<32x384x3136xf32, #tpu.memory_space<hbm>> -> memref<1x1x3136xf32, #tpu.memory_space<hbm>>
      %dma_start3A_492 = tpu.memref_squeeze %dma_start3A_491 : memref<1x1x3136xf32, #tpu.memory_space<hbm>> -> memref<3136xf32, #tpu.memory_space<hbm>>
      %dma_start3A_493 = arith.constant 0 : i32
      %dma_start3A_494 = tpu.memref_slice %arg5[%dma_start3A_483, %dma_start3A_493] : memref<16x3136xf32, #tpu.memory_space<vmem>> -> memref<1x3136xf32, #tpu.memory_space<vmem>>
      %dma_start3A_495 = tpu.memref_squeeze %dma_start3A_494 : memref<1x3136xf32, #tpu.memory_space<vmem>> -> memref<3136xf32, #tpu.memory_space<vmem>>
      tpu.enqueue_dma source(%dma_start3A_495 : memref<3136xf32, #tpu.memory_space<vmem>>) target(%dma_start3A_492 : memref<3136xf32, #tpu.memory_space<hbm>>) target_semaphore(%arg9 : memref<!tpu.dma_semaphore, #tpu.memory_space<semaphore_mem>>)
      %mul3A_496 = arith.constant 16 : i32
      %mul3A_497 = arith.muli %add3A_325, %mul3A_496 : i32
      %add3A_498 = arith.constant 10 : i32
      %add3A_499 = arith.addi %mul3A_497, %add3A_498 : i32
      %dma_start3A_500 = arith.constant 5 : i32
      %dma_start3A_501 = arith.constant 0 : i32
      %dma_start3A_502 = tpu.memref_slice %arg5[%dma_start3A_500, %dma_start3A_501] : memref<16x3136xf32, #tpu.memory_space<vmem>> -> memref<1x3136xf32, #tpu.memory_space<vmem>>
      %dma_start3A_503 = tpu.memref_squeeze %dma_start3A_502 : memref<1x3136xf32, #tpu.memory_space<vmem>> -> memref<3136xf32, #tpu.memory_space<vmem>>
      %dma_start3A_504 = arith.constant 0 : i32
      %dma_start3A_505 = tpu.memref_slice %arg3[%add3A, %add3A_499, %dma_start3A_504] : memref<32x384x3136xf32, #tpu.memory_space<hbm>> -> memref<1x1x3136xf32, #tpu.memory_space<hbm>>
      %dma_start3A_506 = tpu.memref_squeeze %dma_start3A_505 : memref<1x1x3136xf32, #tpu.memory_space<hbm>> -> memref<3136xf32, #tpu.memory_space<hbm>>
      %dma_start3A_507 = arith.constant 0 : i32
      %dma_start3A_508 = tpu.memref_slice %arg3[%add3A, %add3A_499, %dma_start3A_507] : memref<32x384x3136xf32, #tpu.memory_space<hbm>> -> memref<1x1x3136xf32, #tpu.memory_space<hbm>>
      %dma_start3A_509 = tpu.memref_squeeze %dma_start3A_508 : memref<1x1x3136xf32, #tpu.memory_space<hbm>> -> memref<3136xf32, #tpu.memory_space<hbm>>
      %dma_start3A_510 = arith.constant 0 : i32
      %dma_start3A_511 = tpu.memref_slice %arg5[%dma_start3A_500, %dma_start3A_510] : memref<16x3136xf32, #tpu.memory_space<vmem>> -> memref<1x3136xf32, #tpu.memory_space<vmem>>
      %dma_start3A_512 = tpu.memref_squeeze %dma_start3A_511 : memref<1x3136xf32, #tpu.memory_space<vmem>> -> memref<3136xf32, #tpu.memory_space<vmem>>
      tpu.enqueue_dma source(%dma_start3A_512 : memref<3136xf32, #tpu.memory_space<vmem>>) target(%dma_start3A_509 : memref<3136xf32, #tpu.memory_space<hbm>>) target_semaphore(%arg9 : memref<!tpu.dma_semaphore, #tpu.memory_space<semaphore_mem>>)
      %mul3A_513 = arith.constant 16 : i32
      %mul3A_514 = arith.muli %add3A_325, %mul3A_513 : i32
      %add3A_515 = arith.constant 11 : i32
      %add3A_516 = arith.addi %mul3A_514, %add3A_515 : i32
      %dma_start3A_517 = arith.constant 4 : i32
      %dma_start3A_518 = arith.constant 0 : i32
      %dma_start3A_519 = tpu.memref_slice %arg5[%dma_start3A_517, %dma_start3A_518] : memref<16x3136xf32, #tpu.memory_space<vmem>> -> memref<1x3136xf32, #tpu.memory_space<vmem>>
      %dma_start3A_520 = tpu.memref_squeeze %dma_start3A_519 : memref<1x3136xf32, #tpu.memory_space<vmem>> -> memref<3136xf32, #tpu.memory_space<vmem>>
      %dma_start3A_521 = arith.constant 0 : i32
      %dma_start3A_522 = tpu.memref_slice %arg3[%add3A, %add3A_516, %dma_start3A_521] : memref<32x384x3136xf32, #tpu.memory_space<hbm>> -> memref<1x1x3136xf32, #tpu.memory_space<hbm>>
      %dma_start3A_523 = tpu.memref_squeeze %dma_start3A_522 : memref<1x1x3136xf32, #tpu.memory_space<hbm>> -> memref<3136xf32, #tpu.memory_space<hbm>>
      %dma_start3A_524 = arith.constant 0 : i32
      %dma_start3A_525 = tpu.memref_slice %arg3[%add3A, %add3A_516, %dma_start3A_524] : memref<32x384x3136xf32, #tpu.memory_space<hbm>> -> memref<1x1x3136xf32, #tpu.memory_space<hbm>>
      %dma_start3A_526 = tpu.memref_squeeze %dma_start3A_525 : memref<1x1x3136xf32, #tpu.memory_space<hbm>> -> memref<3136xf32, #tpu.memory_space<hbm>>
      %dma_start3A_527 = arith.constant 0 : i32
      %dma_start3A_528 = tpu.memref_slice %arg5[%dma_start3A_517, %dma_start3A_527] : memref<16x3136xf32, #tpu.memory_space<vmem>> -> memref<1x3136xf32, #tpu.memory_space<vmem>>
      %dma_start3A_529 = tpu.memref_squeeze %dma_start3A_528 : memref<1x3136xf32, #tpu.memory_space<vmem>> -> memref<3136xf32, #tpu.memory_space<vmem>>
      tpu.enqueue_dma source(%dma_start3A_529 : memref<3136xf32, #tpu.memory_space<vmem>>) target(%dma_start3A_526 : memref<3136xf32, #tpu.memory_space<hbm>>) target_semaphore(%arg9 : memref<!tpu.dma_semaphore, #tpu.memory_space<semaphore_mem>>)
      %mul3A_530 = arith.constant 16 : i32
      %mul3A_531 = arith.muli %add3A_325, %mul3A_530 : i32
      %add3A_532 = arith.constant 12 : i32
      %add3A_533 = arith.addi %mul3A_531, %add3A_532 : i32
      %dma_start3A_534 = arith.constant 3 : i32
      %dma_start3A_535 = arith.constant 0 : i32
      %dma_start3A_536 = tpu.memref_slice %arg5[%dma_start3A_534, %dma_start3A_535] : memref<16x3136xf32, #tpu.memory_space<vmem>> -> memref<1x3136xf32, #tpu.memory_space<vmem>>
      %dma_start3A_537 = tpu.memref_squeeze %dma_start3A_536 : memref<1x3136xf32, #tpu.memory_space<vmem>> -> memref<3136xf32, #tpu.memory_space<vmem>>
      %dma_start3A_538 = arith.constant 0 : i32
      %dma_start3A_539 = tpu.memref_slice %arg3[%add3A, %add3A_533, %dma_start3A_538] : memref<32x384x3136xf32, #tpu.memory_space<hbm>> -> memref<1x1x3136xf32, #tpu.memory_space<hbm>>
      %dma_start3A_540 = tpu.memref_squeeze %dma_start3A_539 : memref<1x1x3136xf32, #tpu.memory_space<hbm>> -> memref<3136xf32, #tpu.memory_space<hbm>>
      %dma_start3A_541 = arith.constant 0 : i32
      %dma_start3A_542 = tpu.memref_slice %arg3[%add3A, %add3A_533, %dma_start3A_541] : memref<32x384x3136xf32, #tpu.memory_space<hbm>> -> memref<1x1x3136xf32, #tpu.memory_space<hbm>>
      %dma_start3A_543 = tpu.memref_squeeze %dma_start3A_542 : memref<1x1x3136xf32, #tpu.memory_space<hbm>> -> memref<3136xf32, #tpu.memory_space<hbm>>
      %dma_start3A_544 = arith.constant 0 : i32
      %dma_start3A_545 = tpu.memref_slice %arg5[%dma_start3A_534, %dma_start3A_544] : memref<16x3136xf32, #tpu.memory_space<vmem>> -> memref<1x3136xf32, #tpu.memory_space<vmem>>
      %dma_start3A_546 = tpu.memref_squeeze %dma_start3A_545 : memref<1x3136xf32, #tpu.memory_space<vmem>> -> memref<3136xf32, #tpu.memory_space<vmem>>
      tpu.enqueue_dma source(%dma_start3A_546 : memref<3136xf32, #tpu.memory_space<vmem>>) target(%dma_start3A_543 : memref<3136xf32, #tpu.memory_space<hbm>>) target_semaphore(%arg9 : memref<!tpu.dma_semaphore, #tpu.memory_space<semaphore_mem>>)
      %mul3A_547 = arith.constant 16 : i32
      %mul3A_548 = arith.muli %add3A_325, %mul3A_547 : i32
      %add3A_549 = arith.constant 13 : i32
      %add3A_550 = arith.addi %mul3A_548, %add3A_549 : i32
      %dma_start3A_551 = arith.constant 2 : i32
      %dma_start3A_552 = arith.constant 0 : i32
      %dma_start3A_553 = tpu.memref_slice %arg5[%dma_start3A_551, %dma_start3A_552] : memref<16x3136xf32, #tpu.memory_space<vmem>> -> memref<1x3136xf32, #tpu.memory_space<vmem>>
      %dma_start3A_554 = tpu.memref_squeeze %dma_start3A_553 : memref<1x3136xf32, #tpu.memory_space<vmem>> -> memref<3136xf32, #tpu.memory_space<vmem>>
      %dma_start3A_555 = arith.constant 0 : i32
      %dma_start3A_556 = tpu.memref_slice %arg3[%add3A, %add3A_550, %dma_start3A_555] : memref<32x384x3136xf32, #tpu.memory_space<hbm>> -> memref<1x1x3136xf32, #tpu.memory_space<hbm>>
      %dma_start3A_557 = tpu.memref_squeeze %dma_start3A_556 : memref<1x1x3136xf32, #tpu.memory_space<hbm>> -> memref<3136xf32, #tpu.memory_space<hbm>>
      %dma_start3A_558 = arith.constant 0 : i32
      %dma_start3A_559 = tpu.memref_slice %arg3[%add3A, %add3A_550, %dma_start3A_558] : memref<32x384x3136xf32, #tpu.memory_space<hbm>> -> memref<1x1x3136xf32, #tpu.memory_space<hbm>>
      %dma_start3A_560 = tpu.memref_squeeze %dma_start3A_559 : memref<1x1x3136xf32, #tpu.memory_space<hbm>> -> memref<3136xf32, #tpu.memory_space<hbm>>
      %dma_start3A_561 = arith.constant 0 : i32
      %dma_start3A_562 = tpu.memref_slice %arg5[%dma_start3A_551, %dma_start3A_561] : memref<16x3136xf32, #tpu.memory_space<vmem>> -> memref<1x3136xf32, #tpu.memory_space<vmem>>
      %dma_start3A_563 = tpu.memref_squeeze %dma_start3A_562 : memref<1x3136xf32, #tpu.memory_space<vmem>> -> memref<3136xf32, #tpu.memory_space<vmem>>
      tpu.enqueue_dma source(%dma_start3A_563 : memref<3136xf32, #tpu.memory_space<vmem>>) target(%dma_start3A_560 : memref<3136xf32, #tpu.memory_space<hbm>>) target_semaphore(%arg9 : memref<!tpu.dma_semaphore, #tpu.memory_space<semaphore_mem>>)
      %mul3A_564 = arith.constant 16 : i32
      %mul3A_565 = arith.muli %add3A_325, %mul3A_564 : i32
      %add3A_566 = arith.constant 14 : i32
      %add3A_567 = arith.addi %mul3A_565, %add3A_566 : i32
      %dma_start3A_568 = arith.constant 1 : i32
      %dma_start3A_569 = arith.constant 0 : i32
      %dma_start3A_570 = tpu.memref_slice %arg5[%dma_start3A_568, %dma_start3A_569] : memref<16x3136xf32, #tpu.memory_space<vmem>> -> memref<1x3136xf32, #tpu.memory_space<vmem>>
      %dma_start3A_571 = tpu.memref_squeeze %dma_start3A_570 : memref<1x3136xf32, #tpu.memory_space<vmem>> -> memref<3136xf32, #tpu.memory_space<vmem>>
      %dma_start3A_572 = arith.constant 0 : i32
      %dma_start3A_573 = tpu.memref_slice %arg3[%add3A, %add3A_567, %dma_start3A_572] : memref<32x384x3136xf32, #tpu.memory_space<hbm>> -> memref<1x1x3136xf32, #tpu.memory_space<hbm>>
      %dma_start3A_574 = tpu.memref_squeeze %dma_start3A_573 : memref<1x1x3136xf32, #tpu.memory_space<hbm>> -> memref<3136xf32, #tpu.memory_space<hbm>>
      %dma_start3A_575 = arith.constant 0 : i32
      %dma_start3A_576 = tpu.memref_slice %arg3[%add3A, %add3A_567, %dma_start3A_575] : memref<32x384x3136xf32, #tpu.memory_space<hbm>> -> memref<1x1x3136xf32, #tpu.memory_space<hbm>>
      %dma_start3A_577 = tpu.memref_squeeze %dma_start3A_576 : memref<1x1x3136xf32, #tpu.memory_space<hbm>> -> memref<3136xf32, #tpu.memory_space<hbm>>
      %dma_start3A_578 = arith.constant 0 : i32
      %dma_start3A_579 = tpu.memref_slice %arg5[%dma_start3A_568, %dma_start3A_578] : memref<16x3136xf32, #tpu.memory_space<vmem>> -> memref<1x3136xf32, #tpu.memory_space<vmem>>
      %dma_start3A_580 = tpu.memref_squeeze %dma_start3A_579 : memref<1x3136xf32, #tpu.memory_space<vmem>> -> memref<3136xf32, #tpu.memory_space<vmem>>
      tpu.enqueue_dma source(%dma_start3A_580 : memref<3136xf32, #tpu.memory_space<vmem>>) target(%dma_start3A_577 : memref<3136xf32, #tpu.memory_space<hbm>>) target_semaphore(%arg9 : memref<!tpu.dma_semaphore, #tpu.memory_space<semaphore_mem>>)
      %mul3A_581 = arith.constant 16 : i32
      %mul3A_582 = arith.muli %add3A_325, %mul3A_581 : i32
      %add3A_583 = arith.constant 15 : i32
      %add3A_584 = arith.addi %mul3A_582, %add3A_583 : i32
      %dma_start3A_585 = arith.constant 0 : i32
      %dma_start3A_586 = arith.constant 0 : i32
      %dma_start3A_587 = tpu.memref_slice %arg5[%dma_start3A_585, %dma_start3A_586] : memref<16x3136xf32, #tpu.memory_space<vmem>> -> memref<1x3136xf32, #tpu.memory_space<vmem>>
      %dma_start3A_588 = tpu.memref_squeeze %dma_start3A_587 : memref<1x3136xf32, #tpu.memory_space<vmem>> -> memref<3136xf32, #tpu.memory_space<vmem>>
      %dma_start3A_589 = arith.constant 0 : i32
      %dma_start3A_590 = tpu.memref_slice %arg3[%add3A, %add3A_584, %dma_start3A_589] : memref<32x384x3136xf32, #tpu.memory_space<hbm>> -> memref<1x1x3136xf32, #tpu.memory_space<hbm>>
      %dma_start3A_591 = tpu.memref_squeeze %dma_start3A_590 : memref<1x1x3136xf32, #tpu.memory_space<hbm>> -> memref<3136xf32, #tpu.memory_space<hbm>>
      %dma_start3A_592 = arith.constant 0 : i32
      %dma_start3A_593 = tpu.memref_slice %arg3[%add3A, %add3A_584, %dma_start3A_592] : memref<32x384x3136xf32, #tpu.memory_space<hbm>> -> memref<1x1x3136xf32, #tpu.memory_space<hbm>>
      %dma_start3A_594 = tpu.memref_squeeze %dma_start3A_593 : memref<1x1x3136xf32, #tpu.memory_space<hbm>> -> memref<3136xf32, #tpu.memory_space<hbm>>
      %dma_start3A_595 = arith.constant 0 : i32
      %dma_start3A_596 = tpu.memref_slice %arg5[%dma_start3A_585, %dma_start3A_595] : memref<16x3136xf32, #tpu.memory_space<vmem>> -> memref<1x3136xf32, #tpu.memory_space<vmem>>
      %dma_start3A_597 = tpu.memref_squeeze %dma_start3A_596 : memref<1x3136xf32, #tpu.memory_space<vmem>> -> memref<3136xf32, #tpu.memory_space<vmem>>
      tpu.enqueue_dma source(%dma_start3A_597 : memref<3136xf32, #tpu.memory_space<vmem>>) target(%dma_start3A_594 : memref<3136xf32, #tpu.memory_space<hbm>>) target_semaphore(%arg9 : memref<!tpu.dma_semaphore, #tpu.memory_space<semaphore_mem>>)
      %dma_wait3A_598 = arith.constant 0 : i32
      %dma_wait3A_599 = arith.constant 0 : i32
      %dma_wait3A_600 = tpu.memref_slice %arg2[%add3A, %dma_wait3A_598, %dma_wait3A_599] : memref<32x384x3136xf32, #tpu.memory_space<hbm>> -> memref<1x16x3136xf32, #tpu.memory_space<hbm>>
      %dma_wait3A_601 = tpu.memref_squeeze %dma_wait3A_600 : memref<1x16x3136xf32, #tpu.memory_space<hbm>> -> memref<16x3136xf32, #tpu.memory_space<hbm>>
      %dma_wait3A_602 = arith.constant 0 : i32
      %dma_wait3A_603 = arith.constant 0 : i32
      %dma_wait3A_604 = tpu.memref_slice %arg2[%add3A, %dma_wait3A_602, %dma_wait3A_603] : memref<32x384x3136xf32, #tpu.memory_space<hbm>> -> memref<1x16x3136xf32, #tpu.memory_space<hbm>>
      %dma_wait3A_605 = tpu.memref_squeeze %dma_wait3A_604 : memref<1x16x3136xf32, #tpu.memory_space<hbm>> -> memref<16x3136xf32, #tpu.memory_space<hbm>>
      tpu.wait_dma2 semaphore(%arg9 : memref<!tpu.dma_semaphore, #tpu.memory_space<semaphore_mem>>) src(%arg5 : memref<16x3136xf32, #tpu.memory_space<vmem>>) dst(%dma_wait3A_605 : memref<16x3136xf32, #tpu.memory_space<hbm>>)
      %add3A_606 = arith.constant 3 : i32
      %add3A_607 = arith.addi %add3A_24, %add3A_606 : i32
      %lt3A_608 = arith.constant 24 : i32
      %lt3A_609 = arith.cmpi slt, %add3A_607, %lt3A_608 : i32
      %convert_element_type3A_610 = arith.extui %lt3A_609 : i1 to i32
      %cond3A_611 = arith.constant 0 : i32
      %cond3A_612 = arith.cmpi ne, %convert_element_type3A_610, %cond3A_611 : i32
      scf.if %cond3A_612 {
        %add3A_613 = arith.constant 3 : i32
        %add3A_614 = arith.addi %add3A_24, %add3A_613 : i32
        %add3A_615 = arith.constant 1 : i32
        %add3A_616 = arith.addi %add3A_614, %add3A_615 : i32
        %mul3A_617 = arith.constant 16 : i32
        %mul3A_618 = arith.muli %add3A_616, %mul3A_617 : i32
        %sub3A = arith.constant 384 : i32
        %sub3A_619 = arith.subi %sub3A, %mul3A_618 : i32
        %dma_start3A_620 = arith.constant 0 : i32
        %dma_start3A_621 = tpu.memref_slice %arg2[%add3A, %sub3A_619, %dma_start3A_620] : memref<32x384x3136xf32, #tpu.memory_space<hbm>> -> memref<1x16x3136xf32, #tpu.memory_space<hbm>>
        %dma_start3A_622 = tpu.memref_squeeze %dma_start3A_621 : memref<1x16x3136xf32, #tpu.memory_space<hbm>> -> memref<16x3136xf32, #tpu.memory_space<hbm>>
        %dma_start3A_623 = arith.constant 0 : i32
        %dma_start3A_624 = tpu.memref_slice %arg2[%add3A, %sub3A_619, %dma_start3A_623] : memref<32x384x3136xf32, #tpu.memory_space<hbm>> -> memref<1x16x3136xf32, #tpu.memory_space<hbm>>
        %dma_start3A_625 = tpu.memref_squeeze %dma_start3A_624 : memref<1x16x3136xf32, #tpu.memory_space<hbm>> -> memref<16x3136xf32, #tpu.memory_space<hbm>>
        tpu.enqueue_dma source(%dma_start3A_625 : memref<16x3136xf32, #tpu.memory_space<hbm>>) target(%arg5 : memref<16x3136xf32, #tpu.memory_space<vmem>>) target_semaphore(%arg7 : memref<!tpu.dma_semaphore, #tpu.memory_space<semaphore_mem>>)
      } else {
      }
    }
    %scan3A_19 = arith.constant 12 : i32
    return
  }
}

</mosaic_0001>

<sc_bundles>
// kernel: kernel.3.cloned.1.call-start
scs
__scs_entry_jumppad:
0x0: {  	(pc) =	sbr.rel $0x88, $3  }
0x1: {  	(tag) =	ssettag $0x0;
	lr =	simm.s32 $0x1  }
0x2: {  	[smem:$0x3F9F] =	sst lr;
	_ =	strace $0xD0000000  }
0x3: {  	_ = 	snop  }
0x4: {  	_ = 	snop  }
0x5: {  	_ = 	snop  }
0x6: {  	_ = 	snop  }
0x7: {  	_ = 	snop  }
__scs_overlays_trampoline_lowered:
0x8: {  	[smem:$0x3FAE] =	sst s0  }
0x9: {  	[smem:$0x3FAF] =	sst s1  }
0xa: {  	[smem:$0x3FB0] =	sst s2  }
0xb: {  	[smem:$0x3FB1] =	sst s3  }
0xc: {  	[smem:$0x3FB2] =	sst s4  }
0xd: {  	[smem:$0x3FB3] =	sst s5  }
0xe: {  	[smem:$0x3FB4] =	sst s6  }
0xf: {  	[smem:$0x3FB5] =	sst s7  }
0x10: {  	[smem:$0x3FB6] =	sst s8  }
0x11: {  	[smem:$0x3FB7] =	sst s9;
	s0 =	simm.s32 @!p0 $0x0  }
0x12: {  	s1 =	sld [smem:$0x3F9D];
	s0 =	simm.s32 @p0 $0x1  }
0x13: {  	[smem:$0x3FB8] =	sst s0;
	s0 =	simm.s32 @!p1 $0x0  }
0x14: {  	s2 =	sld [smem:$0x3F9C];
	s0 =	simm.s32 @p1 $0x1  }
0x15: {  	[smem:$0x3FB9] =	sst s0;
	s0 =	simm.s32 @!p2 $0x0  }
0x16: {  	s3 =	sld [smem:$0x3FDB];
	s0 =	simm.s32 @p2 $0x1  }
0x17: {  	s4 =	simm.s32 $0x1BF5;
	[smem:$0x3FBB] =	sst s0  }
0x18: {  	s0 =	sld [smem:$0x3F9E];
	_ =	swait.ge [sflag:s4], $0x0  }
0x19: {  	s7 =	sld [smem:$0x3F9F]  }
0x1a: {  	s8 =	sadd.s32 $0xFFFFE003, lr  }
0x1b: {  	s9 =	sadd.s32 $0xFFFFFEF7, lr;
	s5 =	simm.s32 $0xFFFFFFFF;
	p2 =	slt.u32 s8, $0xFFFFF086  }
0x1c: {  	p1 =	slt.u32 s9, $0xF7A;
	s5 =	simm.s32 @!p2 $0x0  }
0x1d: {  	s5 =	simm.s32 @p1 $0x1;
	p0 =	seq.s32 s7, s2  }
0x1e: {  	s7 =	smul.u32 @!p0 $0xF7A, s2;
	p2 =	seq.s32 @!p0 s5, $0x0  }
0x1f: {  	s9 =	smul.u32 $0xF7A, s1;
	s8 =	simm.s32 @!p0 $0x1BF5;
	p2 =	por !p2, p0  }
0x20: {  	[sflag:s8] =	ssyncset.s32 @!p0 $0xFFFFF086;
	s6 =	sadd.s32 @!p0 s3, s7;
	s7 =	simm.s32 @!p0 $0x108  }
0x21: {  	s3 =	sadd.s32 s3, s9;
	s6 =	sadd.s32 @!p0 $0x88, s6;
	s7 =	simm.s32 @p2 $0x1082  }
0x22: {  	[simem:s7], [sflag:s8] =	dma.local @!p0 [hbm:s6], $0xF7A  }
0x23: {  	s9 =	sor.u32 $0xD0000000, s2;
	s6 =	simm.s32 $0x108;
	_ =	swait.ge @!p0 [sflag:s8], $0x0  }
0x24: {  	s3 =	sadd.s32 $0x88, s3;
	s6 =	simm.s32 @!p1 $0x1082;
	[sflag:s4] =	ssyncset.s32 $0xFFFFF086  }
0x25: {  	[simem:s6], [sflag:s4] =	dma.local [hbm:s3], $0xF7A  }
0x26: {  	[smem:$0x3F9F] =	sst s1;
	(tag) =	ssettag s2;
	_ =	strace s9  }
0x27: {  	s1 =	sld [smem:$0x3FAF]  }
0x28: {  	s2 =	sld [smem:$0x3FB0]  }
0x29: {  	s4 =	sld [smem:$0x3FB2]  }
0x2a: {  	p0 =	seq.s32 s5, $0x0;
	s5 =	sld [smem:$0x3FB3]  }
0x2b: {  	s6 =	sld [smem:$0x3FB4]  }
0x2c: {  	s7 =	sld [smem:$0x3FB5]  }
0x2d: {  	s3 =	simm.s32 $0x108;
	s8 =	sld [smem:$0x3FB6]  }
0x2e: {  	s3 =	simm.s32 @!p0 $0x1082;
	s9 =	sld [smem:$0x3FB7]  }
0x2f: {  	lr =	sadd.s32 s0, s3;
	s0 =	sld [smem:$0x3FAE]  }
0x30: {  	s3 =	sld [smem:$0x3FB1]  }
0x31: {  	[smem:$0x3FBA] =	sst s10  }
0x32: {  	s10 =	sld [smem:$0x3FB8];
	_ =	sdelay $0x3  }
0x33: {  	p0 =	seq.s32 s10, $0x1;
	s10 =	sld [smem:$0x3FBA];
	_ =	sdelay $0x3  }
0x34: {  	[smem:$0x3FBA] =	sst s10  }
0x35: {  	s10 =	sld [smem:$0x3FB9];
	_ =	sdelay $0x3  }
0x36: {  	p1 =	seq.s32 s10, $0x1;
	s10 =	sld [smem:$0x3FBA];
	_ =	sdelay $0x3  }
0x37: {  	[smem:$0x3FBA] =	sst s10  }
0x38: {  	s10 =	sld [smem:$0x3FBB]  }
0x39: {  	_ = 	snop;
	(pc) =	sbr.ind lr, $3  }
0x3a: {  	_ = 	snop  }
0x3b: {  	_ = 	snop  }
0x3c: {  	p2 =	seq.s32 s10, $0x1;
	s10 =	sld [smem:$0x3FBA]  }
0x3d: {  	_ =	shalt  }
0x3e: {  	_ =	shalt  }
0x3f: {  	_ =	shalt  }
0x40: {  	_ =	shalt  }
0x41: {  	_ =	shalt  }
0x42: {  	_ =	shalt  }
0x43: {  	_ =	shalt  }
0x44: {  	_ =	shalt  }
0x45: {  	_ =	shalt  }
0x46: {  	_ =	shalt  }
0x47: {  	_ =	shalt  }
0x48: {  	_ =	shalt  }
0x49: {  	_ =	shalt  }
0x4a: {  	_ =	shalt  }
0x4b: {  	_ =	shalt  }
0x4c: {  	_ =	shalt  }
0x4d: {  	_ =	shalt  }
0x4e: {  	_ =	shalt  }
0x4f: {  	_ =	shalt  }
0x50: {  	_ =	shalt  }
0x51: {  	_ =	shalt  }
0x52: {  	_ =	shalt  }
0x53: {  	_ =	shalt  }
0x54: {  	_ =	shalt  }
0x55: {  	_ =	shalt  }
0x56: {  	_ =	shalt  }
0x57: {  	_ =	shalt  }
0x58: {  	_ =	shalt  }
0x59: {  	_ =	shalt  }
0x5a: {  	_ =	shalt  }
0x5b: {  	_ =	shalt  }
0x5c: {  	_ =	shalt  }
0x5d: {  	_ =	shalt  }
0x5e: {  	_ =	shalt  }
0x5f: {  	_ =	shalt  }
0x60: {  	_ =	shalt  }
0x61: {  	_ =	shalt  }
0x62: {  	_ =	shalt  }
0x63: {  	_ =	shalt  }
0x64: {  	_ =	shalt  }
0x65: {  	_ =	shalt  }
0x66: {  	_ =	shalt  }
0x67: {  	_ =	shalt  }
0x68: {  	_ =	shalt  }
0x69: {  	_ =	shalt  }
0x6a: {  	_ =	shalt  }
0x6b: {  	_ =	shalt  }
0x6c: {  	_ =	shalt  }
0x6d: {  	_ =	shalt  }
0x6e: {  	_ =	shalt  }
0x6f: {  	_ =	shalt  }
0x70: {  	_ =	shalt  }
0x71: {  	_ =	shalt  }
0x72: {  	_ =	shalt  }
0x73: {  	_ =	shalt  }
0x74: {  	_ =	shalt  }
0x75: {  	_ =	shalt  }
0x76: {  	_ =	shalt  }
0x77: {  	_ =	shalt  }
0x78: {  	_ =	shalt  }
0x79: {  	_ =	shalt  }
0x7a: {  	_ =	shalt  }
0x7b: {  	_ =	shalt  }
0x7c: {  	_ =	shalt  }
0x7d: {  	_ =	shalt  }
0x7e: {  	_ =	shalt  }
0x7f: {  	_ =	shalt  }
0x80: {  	_ =	shalt  }
0x81: {  	_ =	shalt  }
0x82: {  	_ =	shalt  }
0x83: {  	_ =	shalt  }
0x84: {  	_ =	shalt  }
0x85: {  	_ =	shalt  }
0x86: {  	_ =	shalt  }
0x87: {  	_ =	shalt  }
.Lfunc_end0:
.L_simem_size_0:
called_computation_lowered:
.L_overlay_start_0:
0x88: {  	s2 =	sld [smem:$0x3FD9]  }
0x89: {  	s3 =	sld [smem:$0x3FFE];
	_ =	sdelay $0x1  }
0x8a: {  	s1 =	srdreg.scid  }
0x8b: {  	s0 =	sand.u32 $0x1, s1  }
0x8c: {  	s16 =	sshll.u32 s0, $0xA;
	s2 =	sadd.s32 s3, s2  }
0x8d: {  	s2 =	sadd.s32 s2, s16  }
0x8e: {  	[smem:$0x3FC6] =	sst s2  }
0x8f: {  	_ = 	snop  }
0x90: {  	(tm) =	ssettm $0x1  }
0x91: {  	s17 =	sld [smem:$0x3FFB];
	_ =	sdelay $0x3  }
0x92: {  	_ =	strace s17  }
0x93: {  	s2 =	sld [smem:$0x3FFC];
	_ =	sdelay $0x3  }
0x94: {  	_ =	strace s2  }
0x95: {  	s2 =	sld [smem:$0x3FFD];
	_ =	sdelay $0x3  }
0x96: {  	_ =	strace s2  }
0x97: {  	_ =	strace $0x8FFFFFFF  }
0x98: {  	s18 =	sld [smem:$0x3FDB];
	_ =	sdelay $0x1  }
0x99: {  	s19 =	simm.s32 $_scs_section_size  }
0x9a: {  	s4 =	simm.s32 $_size__tile_overlayer_lowered;
	s5 =	simm.s32 $_tile_overlayer_lowered  }
0x9b: {  	s22 =	simm.s32 $0x1BFF;
	s21 =	sshll.u32 s5, $0x1;
	s2 =	sadd.s32 s19, s18  }
0x9c: {  	s6 =	simm.s32 $0x0;
	s20 =	sshll.u32 s4, $0x1;
	s4 =	sadd.s32 s21, s2  }
0x9d: {  	[timem:s6], [sflag:s22] =	dma.local [hbm:s4], s20  }
0x9e: {  	_ =	swait.ge [sflag:s22], s20  }
0x9f: {  	s3 =	ssub.s32 $0x0, s20;
	[sflag:s22] =	ssyncset.done $0x0  }
0xa0: {  	[sflag:s22] =	ssyncadd.s32 s3;
	_ =	sdelay $0x1  }
0xa1: {  	s23 =	simm.s32 $0x1B8B  }
0xa2: {  	_ =	swait.ge [sflag:s23], $0x1  }
0xa3: {  	[sflag:s23] =	ssyncset.done $0x0  }
0xa4: {  	s25 =	simm.s32 $0x1B8E;
	s24 =	sld [smem:$0x3FFE];
	[sflag:s23] =	ssyncadd.s32 $0xFFFFFFFF  }
0xa5: {  	s26 =	simm.s32 $execute0_lowered;
	[smem:$0x3FD2] =	sst s25  }
0xa6: {  	s4 =	sshll.u32 s26, $0x1;
	_ =	strace $0x80000046;
	[dreg:$0x1] =	wrdreg $0xFFFFFFFF  }
0xa7: {  	s28 =	simm.s32 $_size_execute0_lowered;
	s2 =	sadd.s32 s2, s4;
	[dreg:$0x0] =	wrdreg $0x0  }
0xa8: {  	s4 =	sshll.u32 s28, $0x1;
	[dreg:$0x2] =	wrdreg s2  }
0xa9: {  	[dreg:$0x3] =	wrdreg s4  }
0xaa: {  	[dreg:$0x4] =	wrdreg $0xC0  }
0xab: {  	_ =	task [dreg:s6], $0x5FFFF  }
0xac: {  	[dreg:$0x1] =	wrdreg $0xFFFFFFFF  }
0xad: {  	[dreg:$0x0] =	wrdreg $0x60  }
0xae: {  	[dreg:$0x2] =	wrdreg s24  }
0xaf: {  	[dreg:$0x3] =	wrdreg $0x9  }
0xb0: {  	_ =	task.clear_ibuf [dreg:s6], $0x4FFFF;
	_ =	strace $0x90000046  }
0xb1: {  	s29 =	simm.s32 $0x9;
	_ =	strace $0x80000048  }
0xb2: {  	_ =	swait.ge [sflag:s29], $0x1  }
0xb3: {  	[sflag:s29] =	ssyncadd.s32 $0xFFFFFFFF  }
0xb4: {  	_ =	strace $0x90000048  }
0xb5: {  	_ =	sfence  }
0xb6: {  	s30 =	sld [smem:$0x0];
	_ =	sdelay $0x2  }
0xb7: {  	s31 =	sshll.u32 s1, $0xD;
	s1 =	sshrl.u32 s1, $0x2  }
0xb8: {  	s3 =	sand.u32 $0x4000, s31;
	s1 =	sadd.s32 s1, s30  }
0xb9: {  	s0 =	sor.u32 s3, s0;
	s1 =	sshll.u32 s1, $0x11  }
0xba: {  	s0 =	sor.u32 s1, s0  }
0xbb: {  	s0 =	sadd.s32 $0x8F2B, s0  }
0xbc: {  	[sflag:s0] =	ssyncadd.remote.s32 $0x1  }
0xbd: {  	_ =	sfence.sel $0xFFFF  }
0xbe: {  	[dreg:$0x0] =	wrdreg $0xFFFFFFFF;
	(pc) =	sbr.abs _section_cstart, $3  }
0xbf: {  	[dreg:$0x1] =	wrdreg $0xFFFFFFFF  }
0xc0: {  	_ =	task.clear_ibuf [dreg:s6], $0x2FFFF;
	_ =	strace $0x9FFFFFFF  }
0xc1: {  	(tm) =	ssettm $0x7FFFFFFF  }
tec
execute0_lowered:
.L_overlay_start_1:
0x0: {  	(tag) =	ssettag $0x1  }
0x1: {  	s0 =	srdreg.scid  }
0x2: {  	s1 =	stileid.u32;
	s14 =	rddreg [dreg:$0x0];
	s3 =	simm.s32 $0x0  }
0x3: {  	s19 =	simm.s32 $0xC800;
	s20 =	simm.s32 $0x1;
	s21 =	simm.s32 $0x3  }
0x4: {  	s22 =	simm.s32 $0x2;
	s23 =	simm.s32 $0x4;
	s24 =	simm.s32 $0x0  }
0x5: {  	s0 =	sand.u32 $0x1, s0;
	s1 =	sshll.u32 s1, $0x1;
	[smem:$0x7FF] =	sst s3  }
0x6: {  	s4 =	sadd.s32 $0x600, s14;
	s5 =	sadd.s32 $0x4B0600, s14;
	s7 =	sadd.s32 $0x4B0610, s14  }
0x7: {  	s8 =	sadd.s32 $0x4B0620, s14;
	s9 =	sadd.s32 $0x4B0630, s14;
	s1 =	sor.u32 s0, s1  }
0x8: {  	s10 =	sadd.s32 $0x4B0640, s14;
	s0 =	ssub.s32 $0x2, s0;
	s2 =	smul.u32 $0x12C000, s1  }
.Ltmp0:
0x9: {  	s12 =	sadd.s32 $0x4B0660, s14;
	s11 =	sshrl.u32 s0, $0x1;
	(pc) =	sbr.rel .LBB2_1-.Ltmp0, $4  }
0xa: {  	_ =	strace $0x80000047;
	s0 =	ssub.s32 s0, s11;
	s11 =	sadd.s32 $0x4B0650, s14  }
0xb: {  	s14 =	sadd.s32 $0x4B0670, s14;
	s1 =	sshrl.u32 s2, $0x3;
	s15 =	sadd.s32 $0x6400, s2  }
0xc: {  	s16 =	sadd.s32 $0xC800, s2;
	s17 =	sadd.s32 $0x12C00, s2;
	s1 =	sadd.s32 s4, s1  }
0xd: {  	s18 =	smax.u32 s0, $0x1;
	s6 =	sadd.s32 $0x23F00, s1;
	s13 =	sadd.s32 $0x22600, s1  }
.LBB2_68:
0xe: {  	s24 =	sadd.s32 $0x1, s24  }
0xf: {  	p0 =	sne.s32 s24, s18  }
.Ltmp1:
0x10: {  	_ = 	snop;
	(pc) =	sbr.rel @!p0 .LBB2_69-.Ltmp1, $1  }
0x11: {  	_ =	sdelay $0x3  }
.LBB2_1:
0x12: {  	[tilespmem:s3], [sflag:$0x1] =	stream.linear.gather [hbm4b:s6+s3], $0xC800, $0x38;
	[tilespmem:$0x19000] =	vst v63  }
0x13: {  	s25 =	simm.s32 $0x0  }
0x14: {  	[tilespmem:s19], [sflag:$0x2] =	stream.linear.gather [hbm4b:s13+s3], $0xC800, $0x38;
	[tilespmem:$0x19000] =	vst v63  }
.LBB2_2:
0x15: {  	s26 =	smul.u32 $0x19000, s25;
	_ =	sdelay $0x1  }
0x16: {  	s0 =	sadd.s32 s2, s26  }
0x17: {  	_ =	swait.ge [sflag:s20], $0xC800;
	s30 =	simm.s32 $0x6780;
	s28 =	sshrl.u32 s0, $0x3  }
0x18: {  	s31 =	simm.s32 $0x80;
	[sflag:s20] =	ssyncset.done $0x0;
	s29 =	sadd.s32 s5, s28  }
0x19: {  	s1 =	simm.s32 $0x6B80;
	[sflag:s20] =	ssyncadd.s32 $0xFFFF3800;
	s0 =	sadd.s32 $0x0, s29  }
.LBB2_3:
0x1a: {  	[hbm4b:s0+s3] =	stream.linear.scatter [tilespmem:s30], [sflag:$0x3], $0x80, $0x38;
	[tilespmem:$0x19000] =	vst v63  }
0x1b: {  	s0 =	smov.u32 s31;
	s30 =	smov.u32 s1;
	p0 =	sne.s32 s31, $0xC00  }
.Ltmp2:
0x1c: {  	s31 =	sadd.s32 $0x80, s31;
	(pc) =	sbr.rel @p0 .LBB2_3-.Ltmp2, $2  }
0x1d: {  	_ =	sdelay $0x2  }
0x1e: {  	s1 =	sadd.s32 $0x400, s1;
	s0 =	sadd.s32 s0, s29  }
0x1f: {  	[hbm4b:s0+s3] =	stream.linear.scatter [tilespmem:s30], [sflag:$0x3], $0x80, $0x38;
	[tilespmem:$0x19000] =	vst v63  }
0x20: {  	s29 =	sadd.s32 s28, s7;
	s30 =	simm.s32 $0x6700  }
0x21: {  	s31 =	simm.s32 $0x80;
	s1 =	simm.s32 $0x6B00;
	s0 =	sadd.s32 $0x0, s29  }
.LBB2_5:
0x22: {  	[hbm4b:s0+s3] =	stream.linear.scatter [tilespmem:s30], [sflag:$0x3], $0x80, $0x38;
	[tilespmem:$0x19000] =	vst v63  }
0x23: {  	s0 =	smov.u32 s31;
	s30 =	smov.u32 s1;
	p0 =	sne.s32 s31, $0xC00  }
.Ltmp3:
0x24: {  	s31 =	sadd.s32 $0x80, s31;
	(pc) =	sbr.rel @p0 .LBB2_5-.Ltmp3, $2  }
0x25: {  	_ =	sdelay $0x2  }
0x26: {  	s1 =	sadd.s32 $0x400, s1;
	s0 =	sadd.s32 s0, s29  }
0x27: {  	[hbm4b:s0+s3] =	stream.linear.scatter [tilespmem:s30], [sflag:$0x3], $0x80, $0x38;
	[tilespmem:$0x19000] =	vst v63  }
0x28: {  	s29 =	sadd.s32 s28, s8;
	s30 =	simm.s32 $0x6680  }
0x29: {  	s31 =	simm.s32 $0x80;
	s1 =	simm.s32 $0x6A80;
	s0 =	sadd.s32 $0x0, s29  }
.LBB2_7:
0x2a: {  	[hbm4b:s0+s3] =	stream.linear.scatter [tilespmem:s30], [sflag:$0x3], $0x80, $0x38;
	[tilespmem:$0x19000] =	vst v63  }
0x2b: {  	s0 =	smov.u32 s31;
	s30 =	smov.u32 s1;
	p0 =	sne.s32 s31, $0xC00  }
.Ltmp4:
0x2c: {  	s31 =	sadd.s32 $0x80, s31;
	(pc) =	sbr.rel @p0 .LBB2_7-.Ltmp4, $2  }
0x2d: {  	_ =	sdelay $0x2  }
0x2e: {  	s1 =	sadd.s32 $0x400, s1;
	s0 =	sadd.s32 s0, s29  }
0x2f: {  	[hbm4b:s0+s3] =	stream.linear.scatter [tilespmem:s30], [sflag:$0x3], $0x80, $0x38;
	[tilespmem:$0x19000] =	vst v63  }
0x30: {  	s29 =	sadd.s32 s28, s9;
	s30 =	simm.s32 $0x6600  }
0x31: {  	s31 =	simm.s32 $0x80;
	s1 =	simm.s32 $0x6A00;
	s0 =	sadd.s32 $0x0, s29  }
.LBB2_9:
0x32: {  	[hbm4b:s0+s3] =	stream.linear.scatter [tilespmem:s30], [sflag:$0x3], $0x80, $0x38;
	[tilespmem:$0x19000] =	vst v63  }
0x33: {  	s0 =	smov.u32 s31;
	s30 =	smov.u32 s1;
	p0 =	sne.s32 s31, $0xC00  }
.Ltmp5:
0x34: {  	s31 =	sadd.s32 $0x80, s31;
	(pc) =	sbr.rel @p0 .LBB2_9-.Ltmp5, $2  }
0x35: {  	_ =	sdelay $0x2  }
0x36: {  	s1 =	sadd.s32 $0x400, s1;
	s0 =	sadd.s32 s0, s29  }
0x37: {  	[hbm4b:s0+s3] =	stream.linear.scatter [tilespmem:s30], [sflag:$0x3], $0x80, $0x38;
	[tilespmem:$0x19000] =	vst v63  }
0x38: {  	s29 =	sadd.s32 s28, s10;
	s30 =	simm.s32 $0x6580  }
0x39: {  	s31 =	simm.s32 $0x80;
	s1 =	simm.s32 $0x6980;
	s0 =	sadd.s32 $0x0, s29  }
.LBB2_11:
0x3a: {  	[hbm4b:s0+s3] =	stream.linear.scatter [tilespmem:s30], [sflag:$0x3], $0x80, $0x38;
	[tilespmem:$0x19000] =	vst v63  }
0x3b: {  	s0 =	smov.u32 s31;
	s30 =	smov.u32 s1;
	p0 =	sne.s32 s31, $0xC00  }
.Ltmp6:
0x3c: {  	s31 =	sadd.s32 $0x80, s31;
	(pc) =	sbr.rel @p0 .LBB2_11-.Ltmp6, $2  }
0x3d: {  	_ =	sdelay $0x2  }
0x3e: {  	s1 =	sadd.s32 $0x400, s1;
	s0 =	sadd.s32 s0, s29  }
0x3f: {  	[hbm4b:s0+s3] =	stream.linear.scatter [tilespmem:s30], [sflag:$0x3], $0x80, $0x38;
	[tilespmem:$0x19000] =	vst v63  }
0x40: {  	s29 =	sadd.s32 s28, s11;
	s30 =	simm.s32 $0x6500  }
0x41: {  	s31 =	simm.s32 $0x80;
	s1 =	simm.s32 $0x6900;
	s0 =	sadd.s32 $0x0, s29  }
.LBB2_13:
0x42: {  	[hbm4b:s0+s3] =	stream.linear.scatter [tilespmem:s30], [sflag:$0x3], $0x80, $0x38;
	[tilespmem:$0x19000] =	vst v63  }
0x43: {  	s0 =	smov.u32 s31;
	s30 =	smov.u32 s1;
	p0 =	sne.s32 s31, $0xC00  }
.Ltmp7:
0x44: {  	s31 =	sadd.s32 $0x80, s31;
	(pc) =	sbr.rel @p0 .LBB2_13-.Ltmp7, $2  }
0x45: {  	_ =	sdelay $0x2  }
0x46: {  	s1 =	sadd.s32 $0x400, s1;
	s0 =	sadd.s32 s0, s29  }
0x47: {  	[hbm4b:s0+s3] =	stream.linear.scatter [tilespmem:s30], [sflag:$0x3], $0x80, $0x38;
	[tilespmem:$0x19000] =	vst v63  }
0x48: {  	s29 =	sadd.s32 s28, s12;
	s30 =	simm.s32 $0x6480  }
0x49: {  	s31 =	simm.s32 $0x80;
	s1 =	simm.s32 $0x6880;
	s0 =	sadd.s32 $0x0, s29  }
.LBB2_15:
0x4a: {  	[hbm4b:s0+s3] =	stream.linear.scatter [tilespmem:s30], [sflag:$0x3], $0x80, $0x38;
	[tilespmem:$0x19000] =	vst v63  }
0x4b: {  	s0 =	smov.u32 s31;
	s30 =	smov.u32 s1;
	p0 =	sne.s32 s31, $0xC00  }
.Ltmp8:
0x4c: {  	s31 =	sadd.s32 $0x80, s31;
	(pc) =	sbr.rel @p0 .LBB2_15-.Ltmp8, $2  }
0x4d: {  	_ =	sdelay $0x2  }
0x4e: {  	s1 =	sadd.s32 $0x400, s1;
	s0 =	sadd.s32 s0, s29  }
0x4f: {  	[hbm4b:s0+s3] =	stream.linear.scatter [tilespmem:s30], [sflag:$0x3], $0x80, $0x38;
	[tilespmem:$0x19000] =	vst v63  }
0x50: {  	s28 =	sadd.s32 s28, s14;
	s29 =	simm.s32 $0x6400  }
0x51: {  	s30 =	simm.s32 $0x80;
	s1 =	simm.s32 $0x6800;
	s0 =	sadd.s32 $0x0, s28  }
.LBB2_17:
0x52: {  	[hbm4b:s0+s3] =	stream.linear.scatter [tilespmem:s29], [sflag:$0x3], $0x80, $0x38;
	[tilespmem:$0x19000] =	vst v63  }
0x53: {  	s0 =	smov.u32 s30;
	s29 =	smov.u32 s1;
	p0 =	sne.s32 s30, $0xC00  }
.Ltmp9:
0x54: {  	s30 =	sadd.s32 $0x80, s30;
	(pc) =	sbr.rel @p0 .LBB2_17-.Ltmp9, $2  }
0x55: {  	_ =	sdelay $0x2  }
0x56: {  	s1 =	sadd.s32 $0x400, s1;
	s0 =	sadd.s32 s0, s28  }
0x57: {  	[hbm4b:s0+s3] =	stream.linear.scatter [tilespmem:s29], [sflag:$0x3], $0x80, $0x38;
	[tilespmem:$0x19000] =	vst v63  }
0x58: {  	s1 =	sadd.s32 s26, s15  }
0x59: {  	s28 =	sshrl.u32 s1, $0x3  }
0x5a: {  	s30 =	simm.s32 $0x380;
	s29 =	sadd.s32 s5, s28  }
0x5b: {  	s31 =	simm.s32 $0x80;
	s1 =	simm.s32 $0x780;
	s0 =	sadd.s32 $0x0, s29  }
.LBB2_19:
0x5c: {  	[hbm4b:s0+s3] =	stream.linear.scatter [tilespmem:s30], [sflag:$0x3], $0x80, $0x38;
	[tilespmem:$0x19000] =	vst v63  }
0x5d: {  	s0 =	smov.u32 s31;
	s30 =	smov.u32 s1;
	p0 =	sne.s32 s31, $0xC00  }
.Ltmp10:
0x5e: {  	s31 =	sadd.s32 $0x80, s31;
	(pc) =	sbr.rel @p0 .LBB2_19-.Ltmp10, $2  }
0x5f: {  	_ =	sdelay $0x2  }
0x60: {  	s1 =	sadd.s32 $0x400, s1;
	s0 =	sadd.s32 s0, s29  }
0x61: {  	[hbm4b:s0+s3] =	stream.linear.scatter [tilespmem:s30], [sflag:$0x3], $0x80, $0x38;
	[tilespmem:$0x19000] =	vst v63  }
0x62: {  	s29 =	sadd.s32 s28, s7;
	s30 =	simm.s32 $0x300  }
0x63: {  	s31 =	simm.s32 $0x80;
	s1 =	simm.s32 $0x700;
	s0 =	sadd.s32 $0x0, s29  }
.LBB2_21:
0x64: {  	[hbm4b:s0+s3] =	stream.linear.scatter [tilespmem:s30], [sflag:$0x3], $0x80, $0x38;
	[tilespmem:$0x19000] =	vst v63  }
0x65: {  	s0 =	smov.u32 s31;
	s30 =	smov.u32 s1;
	p0 =	sne.s32 s31, $0xC00  }
.Ltmp11:
0x66: {  	s31 =	sadd.s32 $0x80, s31;
	(pc) =	sbr.rel @p0 .LBB2_21-.Ltmp11, $2  }
0x67: {  	_ =	sdelay $0x2  }
0x68: {  	s1 =	sadd.s32 $0x400, s1;
	s0 =	sadd.s32 s0, s29  }
0x69: {  	[hbm4b:s0+s3] =	stream.linear.scatter [tilespmem:s30], [sflag:$0x3], $0x80, $0x38;
	[tilespmem:$0x19000] =	vst v63  }
0x6a: {  	s29 =	sadd.s32 s28, s8;
	s30 =	simm.s32 $0x280  }
0x6b: {  	s31 =	simm.s32 $0x80;
	s1 =	simm.s32 $0x680;
	s0 =	sadd.s32 $0x0, s29  }
.LBB2_23:
0x6c: {  	[hbm4b:s0+s3] =	stream.linear.scatter [tilespmem:s30], [sflag:$0x3], $0x80, $0x38;
	[tilespmem:$0x19000] =	vst v63  }
0x6d: {  	s0 =	smov.u32 s31;
	s30 =	smov.u32 s1;
	p0 =	sne.s32 s31, $0xC00  }
.Ltmp12:
0x6e: {  	s31 =	sadd.s32 $0x80, s31;
	(pc) =	sbr.rel @p0 .LBB2_23-.Ltmp12, $2  }
0x6f: {  	_ =	sdelay $0x2  }
0x70: {  	s1 =	sadd.s32 $0x400, s1;
	s0 =	sadd.s32 s0, s29  }
0x71: {  	[hbm4b:s0+s3] =	stream.linear.scatter [tilespmem:s30], [sflag:$0x3], $0x80, $0x38;
	[tilespmem:$0x19000] =	vst v63  }
0x72: {  	s29 =	sadd.s32 s28, s9;
	s30 =	simm.s32 $0x200  }
0x73: {  	s31 =	simm.s32 $0x80;
	s1 =	simm.s32 $0x600;
	s0 =	sadd.s32 $0x0, s29  }
.LBB2_25:
0x74: {  	[hbm4b:s0+s3] =	stream.linear.scatter [tilespmem:s30], [sflag:$0x3], $0x80, $0x38;
	[tilespmem:$0x19000] =	vst v63  }
0x75: {  	s0 =	smov.u32 s31;
	s30 =	smov.u32 s1;
	p0 =	sne.s32 s31, $0xC00  }
.Ltmp13:
0x76: {  	s31 =	sadd.s32 $0x80, s31;
	(pc) =	sbr.rel @p0 .LBB2_25-.Ltmp13, $2  }
0x77: {  	_ =	sdelay $0x2  }
0x78: {  	s1 =	sadd.s32 $0x400, s1;
	s0 =	sadd.s32 s0, s29  }
0x79: {  	[hbm4b:s0+s3] =	stream.linear.scatter [tilespmem:s30], [sflag:$0x3], $0x80, $0x38;
	[tilespmem:$0x19000] =	vst v63  }
0x7a: {  	s29 =	sadd.s32 s28, s10;
	s30 =	simm.s32 $0x180  }
0x7b: {  	s31 =	simm.s32 $0x80;
	s1 =	simm.s32 $0x580;
	s0 =	sadd.s32 $0x0, s29  }
.LBB2_27:
0x7c: {  	[hbm4b:s0+s3] =	stream.linear.scatter [tilespmem:s30], [sflag:$0x3], $0x80, $0x38;
	[tilespmem:$0x19000] =	vst v63  }
0x7d: {  	s0 =	smov.u32 s31;
	s30 =	smov.u32 s1;
	p0 =	sne.s32 s31, $0xC00  }
.Ltmp14:
0x7e: {  	s31 =	sadd.s32 $0x80, s31;
	(pc) =	sbr.rel @p0 .LBB2_27-.Ltmp14, $2  }
0x7f: {  	_ =	sdelay $0x2  }
0x80: {  	s1 =	sadd.s32 $0x400, s1;
	s0 =	sadd.s32 s0, s29  }
0x81: {  	[hbm4b:s0+s3] =	stream.linear.scatter [tilespmem:s30], [sflag:$0x3], $0x80, $0x38;
	[tilespmem:$0x19000] =	vst v63  }
0x82: {  	s29 =	sadd.s32 s28, s11;
	s30 =	simm.s32 $0x100  }
0x83: {  	s31 =	simm.s32 $0x80;
	s1 =	simm.s32 $0x500;
	s0 =	sadd.s32 $0x0, s29  }
.LBB2_29:
0x84: {  	[hbm4b:s0+s3] =	stream.linear.scatter [tilespmem:s30], [sflag:$0x3], $0x80, $0x38;
	[tilespmem:$0x19000] =	vst v63  }
0x85: {  	s0 =	smov.u32 s31;
	s30 =	smov.u32 s1;
	p0 =	sne.s32 s31, $0xC00  }
.Ltmp15:
0x86: {  	s31 =	sadd.s32 $0x80, s31;
	(pc) =	sbr.rel @p0 .LBB2_29-.Ltmp15, $2  }
0x87: {  	_ =	sdelay $0x2  }
0x88: {  	s1 =	sadd.s32 $0x400, s1;
	s0 =	sadd.s32 s0, s29  }
0x89: {  	[hbm4b:s0+s3] =	stream.linear.scatter [tilespmem:s30], [sflag:$0x3], $0x80, $0x38;
	[tilespmem:$0x19000] =	vst v63  }
0x8a: {  	s29 =	sadd.s32 s28, s12;
	s30 =	simm.s32 $0x80  }
0x8b: {  	s31 =	simm.s32 $0x80;
	s1 =	simm.s32 $0x480;
	s0 =	sadd.s32 $0x0, s29  }
.LBB2_31:
0x8c: {  	[hbm4b:s0+s3] =	stream.linear.scatter [tilespmem:s30], [sflag:$0x3], $0x80, $0x38;
	[tilespmem:$0x19000] =	vst v63  }
0x8d: {  	s0 =	smov.u32 s31;
	s30 =	smov.u32 s1;
	p0 =	sne.s32 s31, $0xC00  }
.Ltmp16:
0x8e: {  	s31 =	sadd.s32 $0x80, s31;
	(pc) =	sbr.rel @p0 .LBB2_31-.Ltmp16, $2  }
0x8f: {  	_ =	sdelay $0x2  }
0x90: {  	s1 =	sadd.s32 $0x400, s1;
	s0 =	sadd.s32 s0, s29  }
0x91: {  	[hbm4b:s0+s3] =	stream.linear.scatter [tilespmem:s30], [sflag:$0x3], $0x80, $0x38;
	[tilespmem:$0x19000] =	vst v63  }
0x92: {  	s29 =	sadd.s32 s28, s14;
	s28 =	simm.s32 $0x0  }
0x93: {  	s30 =	simm.s32 $0x80;
	s1 =	simm.s32 $0x400;
	s31 =	sadd.s32 $0x0, s29  }
.LBB2_33:
0x94: {  	[hbm4b:s31+s3] =	stream.linear.scatter [tilespmem:s28], [sflag:$0x3], $0x80, $0x38;
	[tilespmem:$0x19000] =	vst v63  }
0x95: {  	s0 =	smov.u32 s30;
	s28 =	smov.u32 s1;
	p0 =	sne.s32 s30, $0xC00  }
.Ltmp17:
0x96: {  	s30 =	sadd.s32 $0x80, s30;
	(pc) =	sbr.rel @p0 .LBB2_33-.Ltmp17, $2  }
0x97: {  	_ =	sdelay $0x2  }
0x98: {  	s1 =	sadd.s32 $0x400, s1;
	s31 =	sadd.s32 s0, s29  }
0x99: {  	p0 =	seq.s32 s25, $0xB  }
0x9a: {  	s0 =	sshll.u32 @!p0 s25, $0x5  }
0x9b: {  	s0 =	ssub.s32 @!p0 $0x150, s0  }
0x9c: {  	s0 =	sshrl.u32 @!p0 s0, $0x3  }
0x9d: {  	s0 =	smul.u32 @!p0 $0x6400, s0  }
0x9e: {  	[hbm4b:s31+s3] =	stream.linear.scatter [tilespmem:s28], [sflag:$0x3], $0x80, $0x38;
	[tilespmem:$0x19000] =	vst v63  }
0x9f: {  	_ =	swait.ge [sflag:s21], $0xC800;
	s0 =	sadd.s32 @!p0 s2, s0  }
0xa0: {  	[sflag:s21] =	ssyncset.done $0x0;
	s0 =	sshrl.u32 @!p0 s0, $0x3  }
0xa1: {  	s1 =	simm.s32 @!p0 $0x0;
	[sflag:s21] =	ssyncadd.s32 $0xFFFF3800;
	s0 =	sadd.s32 @!p0 s4, s0  }
0xa2: {  	[tilespmem:s1], [sflag:$0x1] =	stream.linear.gather @!p0 [hbm4b:s0+s1], $0xC800, $0x38;
	[tilespmem:$0x19000] =	vst v63  }
0xa3: {  	s1 =	sadd.s32 s26, s16  }
0xa4: {  	s30 =	simm.s32 $0x12F80;
	_ =	swait.ge [sflag:s22], $0xC800;
	s28 =	sshrl.u32 s1, $0x3  }
0xa5: {  	s31 =	simm.s32 $0x80;
	[sflag:s22] =	ssyncset.done $0x0;
	s29 =	sadd.s32 s5, s28  }
0xa6: {  	s1 =	simm.s32 $0x13380;
	[sflag:s22] =	ssyncadd.s32 $0xFFFF3800;
	s0 =	sadd.s32 $0x0, s29  }
.LBB2_35:
0xa7: {  	[hbm4b:s0+s3] =	stream.linear.scatter [tilespmem:s30], [sflag:$0x4], $0x80, $0x38;
	[tilespmem:$0x19000] =	vst v63  }
0xa8: {  	s0 =	smov.u32 s31;
	s30 =	smov.u32 s1;
	p1 =	sne.s32 s31, $0xC00  }
.Ltmp18:
0xa9: {  	s31 =	sadd.s32 $0x80, s31;
	(pc) =	sbr.rel @p1 .LBB2_35-.Ltmp18, $2  }
0xaa: {  	_ =	sdelay $0x2  }
0xab: {  	s1 =	sadd.s32 $0x400, s1;
	s0 =	sadd.s32 s0, s29  }
0xac: {  	[hbm4b:s0+s3] =	stream.linear.scatter [tilespmem:s30], [sflag:$0x4], $0x80, $0x38;
	[tilespmem:$0x19000] =	vst v63  }
0xad: {  	s29 =	sadd.s32 s28, s7;
	s30 =	simm.s32 $0x12F00  }
0xae: {  	s31 =	simm.s32 $0x80;
	s1 =	simm.s32 $0x13300;
	s0 =	sadd.s32 $0x0, s29  }
.LBB2_37:
0xaf: {  	[hbm4b:s0+s3] =	stream.linear.scatter [tilespmem:s30], [sflag:$0x4], $0x80, $0x38;
	[tilespmem:$0x19000] =	vst v63  }
0xb0: {  	s0 =	smov.u32 s31;
	s30 =	smov.u32 s1;
	p1 =	sne.s32 s31, $0xC00  }
.Ltmp19:
0xb1: {  	s31 =	sadd.s32 $0x80, s31;
	(pc) =	sbr.rel @p1 .LBB2_37-.Ltmp19, $2  }
0xb2: {  	_ =	sdelay $0x2  }
0xb3: {  	s1 =	sadd.s32 $0x400, s1;
	s0 =	sadd.s32 s0, s29  }
0xb4: {  	[hbm4b:s0+s3] =	stream.linear.scatter [tilespmem:s30], [sflag:$0x4], $0x80, $0x38;
	[tilespmem:$0x19000] =	vst v63  }
0xb5: {  	s29 =	sadd.s32 s28, s8;
	s30 =	simm.s32 $0x12E80  }
0xb6: {  	s31 =	simm.s32 $0x80;
	s1 =	simm.s32 $0x13280;
	s0 =	sadd.s32 $0x0, s29  }
.LBB2_39:
0xb7: {  	[hbm4b:s0+s3] =	stream.linear.scatter [tilespmem:s30], [sflag:$0x4], $0x80, $0x38;
	[tilespmem:$0x19000] =	vst v63  }
0xb8: {  	s0 =	smov.u32 s31;
	s30 =	smov.u32 s1;
	p1 =	sne.s32 s31, $0xC00  }
.Ltmp20:
0xb9: {  	s31 =	sadd.s32 $0x80, s31;
	(pc) =	sbr.rel @p1 .LBB2_39-.Ltmp20, $2  }
0xba: {  	_ =	sdelay $0x2  }
0xbb: {  	s1 =	sadd.s32 $0x400, s1;
	s0 =	sadd.s32 s0, s29  }
0xbc: {  	[hbm4b:s0+s3] =	stream.linear.scatter [tilespmem:s30], [sflag:$0x4], $0x80, $0x38;
	[tilespmem:$0x19000] =	vst v63  }
0xbd: {  	s29 =	sadd.s32 s28, s9;
	s30 =	simm.s32 $0x12E00  }
0xbe: {  	s31 =	simm.s32 $0x80;
	s1 =	simm.s32 $0x13200;
	s0 =	sadd.s32 $0x0, s29  }
.LBB2_41:
0xbf: {  	[hbm4b:s0+s3] =	stream.linear.scatter [tilespmem:s30], [sflag:$0x4], $0x80, $0x38;
	[tilespmem:$0x19000] =	vst v63  }
0xc0: {  	s0 =	smov.u32 s31;
	s30 =	smov.u32 s1;
	p1 =	sne.s32 s31, $0xC00  }
.Ltmp21:
0xc1: {  	s31 =	sadd.s32 $0x80, s31;
	(pc) =	sbr.rel @p1 .LBB2_41-.Ltmp21, $2  }
0xc2: {  	_ =	sdelay $0x2  }
0xc3: {  	s1 =	sadd.s32 $0x400, s1;
	s0 =	sadd.s32 s0, s29  }
0xc4: {  	[hbm4b:s0+s3] =	stream.linear.scatter [tilespmem:s30], [sflag:$0x4], $0x80, $0x38;
	[tilespmem:$0x19000] =	vst v63  }
0xc5: {  	s29 =	sadd.s32 s28, s10;
	s30 =	simm.s32 $0x12D80  }
0xc6: {  	s31 =	simm.s32 $0x80;
	s1 =	simm.s32 $0x13180;
	s0 =	sadd.s32 $0x0, s29  }
.LBB2_43:
0xc7: {  	[hbm4b:s0+s3] =	stream.linear.scatter [tilespmem:s30], [sflag:$0x4], $0x80, $0x38;
	[tilespmem:$0x19000] =	vst v63  }
0xc8: {  	s0 =	smov.u32 s31;
	s30 =	smov.u32 s1;
	p1 =	sne.s32 s31, $0xC00  }
.Ltmp22:
0xc9: {  	s31 =	sadd.s32 $0x80, s31;
	(pc) =	sbr.rel @p1 .LBB2_43-.Ltmp22, $2  }
0xca: {  	_ =	sdelay $0x2  }
0xcb: {  	s1 =	sadd.s32 $0x400, s1;
	s0 =	sadd.s32 s0, s29  }
0xcc: {  	[hbm4b:s0+s3] =	stream.linear.scatter [tilespmem:s30], [sflag:$0x4], $0x80, $0x38;
	[tilespmem:$0x19000] =	vst v63  }
0xcd: {  	s29 =	sadd.s32 s28, s11;
	s30 =	simm.s32 $0x12D00  }
0xce: {  	s31 =	simm.s32 $0x80;
	s1 =	simm.s32 $0x13100;
	s0 =	sadd.s32 $0x0, s29  }
.LBB2_45:
0xcf: {  	[hbm4b:s0+s3] =	stream.linear.scatter [tilespmem:s30], [sflag:$0x4], $0x80, $0x38;
	[tilespmem:$0x19000] =	vst v63  }
0xd0: {  	s0 =	smov.u32 s31;
	s30 =	smov.u32 s1;
	p1 =	sne.s32 s31, $0xC00  }
.Ltmp23:
0xd1: {  	s31 =	sadd.s32 $0x80, s31;
	(pc) =	sbr.rel @p1 .LBB2_45-.Ltmp23, $2  }
0xd2: {  	_ =	sdelay $0x2  }
0xd3: {  	s1 =	sadd.s32 $0x400, s1;
	s0 =	sadd.s32 s0, s29  }
0xd4: {  	[hbm4b:s0+s3] =	stream.linear.scatter [tilespmem:s30], [sflag:$0x4], $0x80, $0x38;
	[tilespmem:$0x19000] =	vst v63  }
0xd5: {  	s29 =	sadd.s32 s28, s12;
	s30 =	simm.s32 $0x12C80  }
0xd6: {  	s31 =	simm.s32 $0x80;
	s1 =	simm.s32 $0x13080;
	s0 =	sadd.s32 $0x0, s29  }
.LBB2_47:
0xd7: {  	[hbm4b:s0+s3] =	stream.linear.scatter [tilespmem:s30], [sflag:$0x4], $0x80, $0x38;
	[tilespmem:$0x19000] =	vst v63  }
0xd8: {  	s0 =	smov.u32 s31;
	s30 =	smov.u32 s1;
	p1 =	sne.s32 s31, $0xC00  }
.Ltmp24:
0xd9: {  	s31 =	sadd.s32 $0x80, s31;
	(pc) =	sbr.rel @p1 .LBB2_47-.Ltmp24, $2  }
0xda: {  	_ =	sdelay $0x2  }
0xdb: {  	s1 =	sadd.s32 $0x400, s1;
	s0 =	sadd.s32 s0, s29  }
0xdc: {  	[hbm4b:s0+s3] =	stream.linear.scatter [tilespmem:s30], [sflag:$0x4], $0x80, $0x38;
	[tilespmem:$0x19000] =	vst v63  }
0xdd: {  	s28 =	sadd.s32 s28, s14;
	s29 =	simm.s32 $0x12C00  }
0xde: {  	s30 =	simm.s32 $0x80;
	s1 =	simm.s32 $0x13000;
	s0 =	sadd.s32 $0x0, s28  }
.LBB2_49:
0xdf: {  	[hbm4b:s0+s3] =	stream.linear.scatter [tilespmem:s29], [sflag:$0x4], $0x80, $0x38;
	[tilespmem:$0x19000] =	vst v63  }
0xe0: {  	s0 =	smov.u32 s30;
	s29 =	smov.u32 s1;
	p1 =	sne.s32 s30, $0xC00  }
.Ltmp25:
0xe1: {  	s30 =	sadd.s32 $0x80, s30;
	(pc) =	sbr.rel @p1 .LBB2_49-.Ltmp25, $2  }
0xe2: {  	_ =	sdelay $0x2  }
0xe3: {  	s1 =	sadd.s32 $0x400, s1;
	s0 =	sadd.s32 s0, s28  }
0xe4: {  	[hbm4b:s0+s3] =	stream.linear.scatter [tilespmem:s29], [sflag:$0x4], $0x80, $0x38;
	[tilespmem:$0x19000] =	vst v63  }
0xe5: {  	s31 =	sadd.s32 s26, s17  }
0xe6: {  	s26 =	sshrl.u32 s31, $0x3  }
0xe7: {  	s29 =	simm.s32 $0xCB80;
	s28 =	sadd.s32 s5, s26  }
0xe8: {  	s30 =	simm.s32 $0x80;
	s1 =	simm.s32 $0xCF80;
	s0 =	sadd.s32 $0x0, s28  }
.LBB2_51:
0xe9: {  	[hbm4b:s0+s3] =	stream.linear.scatter [tilespmem:s29], [sflag:$0x4], $0x80, $0x38;
	[tilespmem:$0x19000] =	vst v63  }
0xea: {  	s0 =	smov.u32 s30;
	s29 =	smov.u32 s1;
	p1 =	sne.s32 s30, $0xC00  }
.Ltmp26:
0xeb: {  	s30 =	sadd.s32 $0x80, s30;
	(pc) =	sbr.rel @p1 .LBB2_51-.Ltmp26, $2  }
0xec: {  	_ =	sdelay $0x2  }
0xed: {  	s1 =	sadd.s32 $0x400, s1;
	s0 =	sadd.s32 s0, s28  }
0xee: {  	[hbm4b:s0+s3] =	stream.linear.scatter [tilespmem:s29], [sflag:$0x4], $0x80, $0x38;
	[tilespmem:$0x19000] =	vst v63  }
0xef: {  	s28 =	sadd.s32 s26, s7;
	s29 =	simm.s32 $0xCB00  }
0xf0: {  	s30 =	simm.s32 $0x80;
	s1 =	simm.s32 $0xCF00;
	s0 =	sadd.s32 $0x0, s28  }
.LBB2_53:
0xf1: {  	[hbm4b:s0+s3] =	stream.linear.scatter [tilespmem:s29], [sflag:$0x4], $0x80, $0x38;
	[tilespmem:$0x19000] =	vst v63  }
0xf2: {  	s0 =	smov.u32 s30;
	s29 =	smov.u32 s1;
	p1 =	sne.s32 s30, $0xC00  }
.Ltmp27:
0xf3: {  	s30 =	sadd.s32 $0x80, s30;
	(pc) =	sbr.rel @p1 .LBB2_53-.Ltmp27, $2  }
0xf4: {  	_ =	sdelay $0x2  }
0xf5: {  	s1 =	sadd.s32 $0x400, s1;
	s0 =	sadd.s32 s0, s28  }
0xf6: {  	[hbm4b:s0+s3] =	stream.linear.scatter [tilespmem:s29], [sflag:$0x4], $0x80, $0x38;
	[tilespmem:$0x19000] =	vst v63  }
0xf7: {  	s28 =	sadd.s32 s26, s8;
	s29 =	simm.s32 $0xCA80  }
0xf8: {  	s30 =	simm.s32 $0x80;
	s1 =	simm.s32 $0xCE80;
	s0 =	sadd.s32 $0x0, s28  }
.LBB2_55:
0xf9: {  	[hbm4b:s0+s3] =	stream.linear.scatter [tilespmem:s29], [sflag:$0x4], $0x80, $0x38;
	[tilespmem:$0x19000] =	vst v63  }
0xfa: {  	s0 =	smov.u32 s30;
	s29 =	smov.u32 s1;
	p1 =	sne.s32 s30, $0xC00  }
.Ltmp28:
0xfb: {  	s30 =	sadd.s32 $0x80, s30;
	(pc) =	sbr.rel @p1 .LBB2_55-.Ltmp28, $2  }
0xfc: {  	_ =	sdelay $0x2  }
0xfd: {  	s1 =	sadd.s32 $0x400, s1;
	s0 =	sadd.s32 s0, s28  }
0xfe: {  	[hbm4b:s0+s3] =	stream.linear.scatter [tilespmem:s29], [sflag:$0x4], $0x80, $0x38;
	[tilespmem:$0x19000] =	vst v63  }
0xff: {  	s28 =	sadd.s32 s26, s9;
	s29 =	simm.s32 $0xCA00  }
0x100: {  	s30 =	simm.s32 $0x80;
	s1 =	simm.s32 $0xCE00;
	s0 =	sadd.s32 $0x0, s28  }
.LBB2_57:
0x101: {  	[hbm4b:s0+s3] =	stream.linear.scatter [tilespmem:s29], [sflag:$0x4], $0x80, $0x38;
	[tilespmem:$0x19000] =	vst v63  }
0x102: {  	s0 =	smov.u32 s30;
	s29 =	smov.u32 s1;
	p1 =	sne.s32 s30, $0xC00  }
.Ltmp29:
0x103: {  	s30 =	sadd.s32 $0x80, s30;
	(pc) =	sbr.rel @p1 .LBB2_57-.Ltmp29, $2  }
0x104: {  	_ =	sdelay $0x2  }
0x105: {  	s1 =	sadd.s32 $0x400, s1;
	s0 =	sadd.s32 s0, s28  }
0x106: {  	[hbm4b:s0+s3] =	stream.linear.scatter [tilespmem:s29], [sflag:$0x4], $0x80, $0x38;
	[tilespmem:$0x19000] =	vst v63  }
0x107: {  	s28 =	sadd.s32 s26, s10;
	s29 =	simm.s32 $0xC980  }
0x108: {  	s30 =	simm.s32 $0x80;
	s1 =	simm.s32 $0xCD80;
	s0 =	sadd.s32 $0x0, s28  }
.LBB2_59:
0x109: {  	[hbm4b:s0+s3] =	stream.linear.scatter [tilespmem:s29], [sflag:$0x4], $0x80, $0x38;
	[tilespmem:$0x19000] =	vst v63  }
0x10a: {  	s0 =	smov.u32 s30;
	s29 =	smov.u32 s1;
	p1 =	sne.s32 s30, $0xC00  }
.Ltmp30:
0x10b: {  	s30 =	sadd.s32 $0x80, s30;
	(pc) =	sbr.rel @p1 .LBB2_59-.Ltmp30, $2  }
0x10c: {  	_ =	sdelay $0x2  }
0x10d: {  	s1 =	sadd.s32 $0x400, s1;
	s0 =	sadd.s32 s0, s28  }
0x10e: {  	[hbm4b:s0+s3] =	stream.linear.scatter [tilespmem:s29], [sflag:$0x4], $0x80, $0x38;
	[tilespmem:$0x19000] =	vst v63  }
0x10f: {  	s28 =	sadd.s32 s26, s11;
	s29 =	simm.s32 $0xC900  }
0x110: {  	s30 =	simm.s32 $0x80;
	s1 =	simm.s32 $0xCD00;
	s0 =	sadd.s32 $0x0, s28  }
.LBB2_61:
0x111: {  	[hbm4b:s0+s3] =	stream.linear.scatter [tilespmem:s29], [sflag:$0x4], $0x80, $0x38;
	[tilespmem:$0x19000] =	vst v63  }
0x112: {  	s0 =	smov.u32 s30;
	s29 =	smov.u32 s1;
	p1 =	sne.s32 s30, $0xC00  }
.Ltmp31:
0x113: {  	s30 =	sadd.s32 $0x80, s30;
	(pc) =	sbr.rel @p1 .LBB2_61-.Ltmp31, $2  }
0x114: {  	_ =	sdelay $0x2  }
0x115: {  	s1 =	sadd.s32 $0x400, s1;
	s0 =	sadd.s32 s0, s28  }
0x116: {  	[hbm4b:s0+s3] =	stream.linear.scatter [tilespmem:s29], [sflag:$0x4], $0x80, $0x38;
	[tilespmem:$0x19000] =	vst v63  }
0x117: {  	s28 =	sadd.s32 s26, s12;
	s29 =	simm.s32 $0xC880  }
0x118: {  	s30 =	simm.s32 $0x80;
	s1 =	simm.s32 $0xCC80;
	s0 =	sadd.s32 $0x0, s28  }
.LBB2_63:
0x119: {  	[hbm4b:s0+s3] =	stream.linear.scatter [tilespmem:s29], [sflag:$0x4], $0x80, $0x38;
	[tilespmem:$0x19000] =	vst v63  }
0x11a: {  	s0 =	smov.u32 s30;
	s29 =	smov.u32 s1;
	p1 =	sne.s32 s30, $0xC00  }
.Ltmp32:
0x11b: {  	s30 =	sadd.s32 $0x80, s30;
	(pc) =	sbr.rel @p1 .LBB2_63-.Ltmp32, $2  }
0x11c: {  	_ =	sdelay $0x2  }
0x11d: {  	s1 =	sadd.s32 $0x400, s1;
	s0 =	sadd.s32 s0, s28  }
0x11e: {  	[hbm4b:s0+s3] =	stream.linear.scatter [tilespmem:s29], [sflag:$0x4], $0x80, $0x38;
	[tilespmem:$0x19000] =	vst v63  }
0x11f: {  	s26 =	sadd.s32 s26, s14;
	s28 =	simm.s32 $0xC800  }
0x120: {  	s29 =	simm.s32 $0x80;
	s1 =	simm.s32 $0xCC00;
	s0 =	sadd.s32 $0x0, s26  }
.LBB2_65:
0x121: {  	[hbm4b:s0+s3] =	stream.linear.scatter [tilespmem:s28], [sflag:$0x4], $0x80, $0x38;
	[tilespmem:$0x19000] =	vst v63  }
0x122: {  	s0 =	smov.u32 s29;
	s28 =	smov.u32 s1;
	p1 =	sne.s32 s29, $0xC00  }
.Ltmp33:
0x123: {  	s29 =	sadd.s32 $0x80, s29;
	(pc) =	sbr.rel @p1 .LBB2_65-.Ltmp33, $2  }
0x124: {  	_ =	sdelay $0x2  }
0x125: {  	s1 =	sadd.s32 $0x400, s1;
	s0 =	sadd.s32 s0, s26  }
.Ltmp34:
0x126: {  	(pc) =	sbr.rel @p0 .LBB2_68-.Ltmp34, $4  }
0x127: {  	[hbm4b:s0+s3] =	stream.linear.scatter [tilespmem:s28], [sflag:$0x4], $0x80, $0x38;
	[tilespmem:$0x19000] =	vst v63  }
0x128: {  	_ =	swait.ge [sflag:s23], $0xC800  }
0x129: {  	[sflag:s23] =	ssyncset.done $0x0  }
0x12a: {  	[sflag:s23] =	ssyncadd.s32 $0xFFFF3800  }
0x12b: {  	s0 =	sshll.u32 s25, $0x5  }
0x12c: {  	s0 =	ssub.s32 $0x140, s0  }
0x12d: {  	s0 =	sshrl.u32 s0, $0x3  }
0x12e: {  	s0 =	smul.u32 $0x6400, s0  }
.Ltmp35:
0x12f: {  	_ = 	snop;
	(pc) =	sbr.rel .LBB2_2-.Ltmp35, $4  }
0x130: {  	s0 =	sadd.s32 s2, s0  }
0x131: {  	s0 =	sshrl.u32 s0, $0x3  }
0x132: {  	s25 =	sadd.s32 $0x1, s25;
	s0 =	sadd.s32 s4, s0  }
0x133: {  	[tilespmem:s19], [sflag:$0x2] =	stream.linear.gather [hbm4b:s0+s3], $0xC800, $0x38;
	[tilespmem:$0x19000] =	vst v63  }
.LBB2_69:
0x134: {  	_ =	sfence.sel $0x180000  }
0x135: {  	[bflag:$0x0] =	sbarrier.arrive $0xFFFF  }
0x136: {  	_ =	strace $0x90000047  }
0x137: {  	s0 =	stileid.u32;
	[bflag:$0x2] =	sbarrier.arrive $0xFFFF  }
0x138: {  	p0 =	sne.s32 s0, $0x0;
	s0 =	rddreg [dreg:$0x1]  }
0x139: {  	s0 =	sadd.s32 @!p0 $0x100000, s0  }
0x13a: {  	[sflag:s0] =	ssyncadd.tile.s32 @!p0 $0x1;
	_ =	shalt  }
.Lfunc_end2:
_tile_overlayer_lowered:
.L_overlay_start_2:
0x13b: {  	(tag) =	ssettag $0x2  }
0x13c: {  	s0 =	rddreg [dreg:$0x0];
	s2 =	stileid.u32  }
0x13d: {  	s1 =	rddreg [dreg:$0x1];
	p0 =	sne.s32 s2, $0x0  }
0x13e: {  	s3 =	rddreg [dreg:$0x2];
	[bflag:$0x3] =	sbarrier.arrive $0xFFFF;
	s2 =	simm.s32 @!p0 $0x1C05  }
0x13f: {  	[timem:s3], [sflag:s2] =	dma.local @!p0 [hbm:s0], s1  }
0x140: {  	s0 =	simm.s32 @!p0 $0x5  }
0x141: {  	_ =	swait.ge @!p0 [sflag:s0], s1  }
0x142: {  	s1 =	ssub.s32 @!p0 $0x0, s1;
	[sflag:s0] =	ssyncset.done @!p0 $0x0  }
0x143: {  	[sflag:s0] =	ssyncadd.s32 @!p0 s1  }
0x144: {  	[bflag:$0x3] =	sbarrier.arrive $0xFFFF  }
0x145: {  	_ =	shalt  }

</sc_bundles>
